<compile_context>
chip_gen: v7x
topology: tpu7x:2x2x1
jax: 0.10.2.dev20260603
libtpu: 0.0.44.dev20260713+nightly
codegen_flags: <defaults>
</compile_context>

<pallas_src>
import jax
import jax.numpy as jnp
import numpy as np
from jax.experimental import pallas as pl

CELL_SIZE = 0.01
MAX_NEIGHBORS = 64
TABLE_SIZE = 1000000
RADIUS = 0.01
N_CELLS = 27
Q_BLK = 128


def _hash_coords(coords):
    p1 = np.int32(73856093)
    p2 = np.int32(19349663)
    p3 = np.int32(83492791)
    h = coords[..., 0] * p1 + coords[..., 1] * p2 + coords[..., 2] * p3
    return jnp.abs(h) % TABLE_SIZE


def _query_kernel(qpos_ref, cand_ref, px_ref, py_ref, pz_ref, cnt_ref,
                  nbr_ref, nv_ref):
    qx = qpos_ref[:, 0:1]
    qy = qpos_ref[:, 1:2]
    qz = qpos_ref[:, 2:3]
    out = jnp.zeros((Q_BLK, MAX_NEIGHBORS), jnp.float32)
    base = jnp.zeros((Q_BLK, 1), jnp.float32)
    slot = jax.lax.broadcasted_iota(jnp.int32, (Q_BLK, MAX_NEIGHBORS), 1)
    jslot = jax.lax.broadcasted_iota(
        jnp.int32, (Q_BLK, MAX_NEIGHBORS, MAX_NEIGHBORS), 1)
    row = jax.lax.broadcasted_iota(jnp.int32, (MAX_NEIGHBORS, MAX_NEIGHBORS), 0)
    col = jax.lax.broadcasted_iota(jnp.int32, (MAX_NEIGHBORS, MAX_NEIGHBORS), 1)
    tri = (row <= col).astype(jnp.float32)
    def body(c, carry):
        out, base = carry
        ids = cand_ref[c]
        dx = px_ref[c] - qx
        dy = py_ref[c] - qy
        dz = pz_ref[c] - qz
        dist = jnp.sqrt((dx * dx + dy * dy) + dz * dz)
        cnt = cnt_ref[c]
        m = (slot < cnt) & (dist <= RADIUS)
        mf = m.astype(jnp.float32)
        cum = jnp.dot(mf, tri, preferred_element_type=jnp.float32)
        pos = (base + cum).astype(jnp.int32) - 1
        posm = jnp.where(m, pos, -2)
        oh = posm[:, None, :] == jslot
        idp = ids.astype(jnp.float32) + 1.0
        out = out + jnp.sum(oh.astype(jnp.float32) * idp[:, None, :], axis=2)
        base = base + cum[:, -1:]
        return out, base

    out, base = jax.lax.fori_loop(0, N_CELLS, body, (out, base))
    nv = jnp.minimum(base, float(MAX_NEIGHBORS))
    nbr_ref[:, :] = out.astype(jnp.int32) - 1
    nv_ref[:, :] = nv.astype(jnp.int32)


def kernel(positions, query_positions):
    N = positions.shape[0]
    Q = query_positions.shape[0]
    h = _hash_coords(jnp.floor(positions / CELL_SIZE).astype(jnp.int32))
    order = jnp.argsort(h)
    sorted_h = h[order]
    psx = positions[order, 0]
    psy = positions[order, 1]
    psz = positions[order, 2]

    d = jnp.arange(-1, 2)
    offs = jnp.stack(jnp.meshgrid(d, d, d, indexing='ij'),
                     axis=-1).reshape(-1, 3).astype(jnp.float32)
    cells = query_positions[:, None, :] / CELL_SIZE + offs[None, :, :]
    npos = cells * CELL_SIZE
    coords = jnp.floor(npos / CELL_SIZE).astype(jnp.int32)
    qh = _hash_coords(coords)

    start = jnp.searchsorted(sorted_h, qh)
    end = jnp.searchsorted(sorted_h, qh, side='right')
    cnt = jnp.minimum(end - start, MAX_NEIGHBORS).astype(jnp.int32)

    s = jnp.arange(MAX_NEIGHBORS)
    gidx = jnp.clip(start.T[:, :, None] + s[None, None, :], 0, N - 1)
    cand = jnp.take(order, gidx).astype(jnp.int32)
    px = jnp.take(psx, gidx)
    py = jnp.take(psy, gidx)
    pz = jnp.take(psz, gidx)
    cntT = cnt.T[:, :, None]

    grid = (Q // Q_BLK,)
    cell_spec = pl.BlockSpec((N_CELLS, Q_BLK, MAX_NEIGHBORS),
                             lambda i: (0, i, 0))
    nbr, nv = pl.pallas_call(
        _query_kernel,
        grid=grid,
        in_specs=[
            pl.BlockSpec((Q_BLK, 3), lambda i: (i, 0)),
            cell_spec,
            cell_spec,
            cell_spec,
            cell_spec,
            pl.BlockSpec((N_CELLS, Q_BLK, 1), lambda i: (0, i, 0)),
        ],
        out_specs=[
            pl.BlockSpec((Q_BLK, MAX_NEIGHBORS), lambda i: (i, 0)),
            pl.BlockSpec((Q_BLK, 1), lambda i: (i, 0)),
        ],
        out_shape=[
            jax.ShapeDtypeStruct((Q, MAX_NEIGHBORS), jnp.int32),
            jax.ShapeDtypeStruct((Q, 1), jnp.int32),
        ],
    )(query_positions, cand, px, py, pz, cntT)
    return nbr, nv.reshape(Q)

# --- scband reference (transcript-rebuilt; emitter-appended) ---
"""Pipeline reference for scband-cudaspatial-hash-24927990186056 (READ-ONLY COPY).

The authoritative reference and input builder live on the scoring server;
editing this copy changes nothing except your own understanding.
"""

import jax, jax.numpy as jnp
import numpy as np

CELL_SIZE = 0.01
MAX_NEIGHBORS = 64
TABLE_SIZE = 1000000
RADIUS = 0.01
N_POINTS = 100000
N_QUERIES = 4096

def _hash_coords(coords):
    p1 = np.int32(73856093); p2 = np.int32(19349663); p3 = np.int32(83492791)
    h = coords[..., 0] * p1 + coords[..., 1] * p2 + coords[..., 2] * p3
    return jnp.abs(h) % TABLE_SIZE

def setup_inputs(seed: int = 0):
    key = jax.random.key(seed)
    k1, k2 = jax.random.split(key)
    positions = jax.random.uniform(k1, (N_POINTS, 3), dtype=jnp.float32)
    query_positions = jax.random.uniform(k2, (N_QUERIES, 3), dtype=jnp.float32)
    return {"positions": positions, "query_positions": query_positions}

def reference(positions, query_positions):
    N = positions.shape[0]
    Q = query_positions.shape[0]
    # --- insert_points (vectorized): stable sort by hash gives per-cell slot ranks
    h = _hash_coords(jnp.floor(positions / CELL_SIZE).astype(jnp.int32))
    order = jnp.argsort(h)  # stable -> preserves insertion order within a cell
    sorted_h = h[order]
    starts = jnp.searchsorted(sorted_h, sorted_h, side='left')
    rank = jnp.arange(N) - starts
    keep = rank < MAX_NEIGHBORS  # overflow slots are collisions (dropped)
    rows = jnp.where(keep, sorted_h, TABLE_SIZE)  # OOB row -> dropped by scatter
    cols = jnp.clip(rank, 0, MAX_NEIGHBORS - 1)
    table = jnp.full((TABLE_SIZE, MAX_NEIGHBORS), -1, dtype=jnp.int32)
    table = table.at[rows, cols].set(order.astype(jnp.int32), mode='drop')
    counts = jnp.minimum(jnp.bincount(h, length=TABLE_SIZE), MAX_NEIGHBORS).astype(jnp.int32)
    # --- query_neighbors_batch: 27-cell stencil (cell_radius = ceil(radius/cell_size) = 1)
    d = jnp.arange(-1, 2)
    offs = jnp.stack(jnp.meshgrid(d, d, d, indexing='ij'), axis=-1).reshape(-1, 3).astype(jnp.float32)
    cells = query_positions[:, None, :] / CELL_SIZE + offs[None, :, :]
    npos = cells * CELL_SIZE  # replicate torch round-trip exactly
    coords = jnp.floor(npos / CELL_SIZE).astype(jnp.int32)
    qh = _hash_coords(coords)            # [Q, 27]
    cand = table[qh]                     # [Q, 27, 64] gather
    ccnt = counts[qh]                    # [Q, 27]
    slot = jnp.arange(MAX_NEIGHBORS)
    slot_ok = slot[None, None, :] < ccnt[:, :, None]
    id_ok = (cand >= 0) & (cand < N)
    safe = jnp.clip(cand, 0, N - 1)
    ppos = positions[safe]               # [Q, 27, 64, 3] gather
    dist = jnp.linalg.norm(query_positions[:, None, None, :] - ppos, axis=-1)
    mask = slot_ok & id_ok & (dist <= RADIUS)
    flat_ids = cand.reshape(Q, -1)
    flat_mask = mask.reshape(Q, -1)
    # stable compaction: first MAX_NEIGHBORS hits in stencil/slot iteration order
    ord2 = jnp.argsort(jnp.where(flat_mask, 0, 1).astype(jnp.int32), axis=1)
    sel = jnp.take_along_axis(flat_ids, ord2[:, :MAX_NEIGHBORS], axis=1)
    nvalid = jnp.minimum(flat_mask.sum(axis=1), MAX_NEIGHBORS).astype(jnp.int32)
    pos_idx = jnp.arange(MAX_NEIGHBORS)[None, :]
    neighbors = jnp.where(pos_idx < nvalid[:, None], sel, -1)
    return neighbors, nvalid

if __name__ == "__main__":
    import jax
    _d = setup_inputs()
    print(jax.jit(kernel)(*tuple(_d.values())))

</pallas_src>

<mosaic_0001>
module attributes {stable_mosaic.version = 14 : i64} {
  func.func @_query_kernel(%arg0: i32, %arg1: memref<128x3xf32, #tpu.memory_space<vmem>>, %arg2: memref<27x128x64xi32, #tpu.memory_space<vmem>>, %arg3: memref<27x128x64xf32, #tpu.memory_space<vmem>>, %arg4: memref<27x128x64xf32, #tpu.memory_space<vmem>>, %arg5: memref<27x128x64xf32, #tpu.memory_space<vmem>>, %arg6: memref<27x128x1xi32, #tpu.memory_space<vmem>>, %arg7: memref<128x64xi32, #tpu.memory_space<vmem>>, %arg8: memref<128x1xi32, #tpu.memory_space<vmem>>) attributes {dimension_semantics = [#tpu.dimension_semantics<arbitrary>], iteration_bounds = array<i64: 32>, scalar_prefetch = 0 : i64, scratch_operands = 0 : i64, tpu.core_type = #tpu.core_type<tc>, window_params = [{transform_indices = @transform_0, window_bounds = array<i64: 128, 3>}, {transform_indices = @transform_1, window_bounds = array<i64: 27, 128, 64>}, {transform_indices = @transform_2, window_bounds = array<i64: 27, 128, 64>}, {transform_indices = @transform_3, window_bounds = array<i64: 27, 128, 64>}, {transform_indices = @transform_4, window_bounds = array<i64: 27, 128, 64>}, {transform_indices = @transform_5, window_bounds = array<i64: 27, 128, 1>}, {transform_indices = @transform_6, window_bounds = array<i64: 128, 64>}, {transform_indices = @transform_7, window_bounds = array<i64: 128, 1>}]} {
    %get3A = arith.constant 0 : index
    %get3A_0 = arith.constant 0 : index
    %get3A_1 = vector.load %arg1[%get3A, %get3A_0] : memref<128x3xf32, #tpu.memory_space<vmem>>, vector<128x1xf32>
    %get3A_2 = arith.constant 0 : index
    %get3A_3 = arith.constant 1 : index
    %get3A_4 = vector.load %arg1[%get3A_2, %get3A_3] : memref<128x3xf32, #tpu.memory_space<vmem>>, vector<128x1xf32>
    %get3A_5 = arith.constant 0 : index
    %get3A_6 = arith.constant 2 : index
    %get3A_7 = vector.load %arg1[%get3A_5, %get3A_6] : memref<128x3xf32, #tpu.memory_space<vmem>>, vector<128x1xf32>
    %broadcast_in_dim3A = arith.constant 0.000000e+00 : f32
    %broadcast_in_dim3A_8 = vector.broadcast %broadcast_in_dim3A : f32 to vector<128x64xf32>
    %broadcast_in_dim3A_9 = arith.constant 0.000000e+00 : f32
    %broadcast_in_dim3A_10 = vector.broadcast %broadcast_in_dim3A_9 : f32 to vector<128x1xf32>
    %iota3A = tpu.iota {dimensions = array<i32: 1>} : vector<128x64xi32>
    %iota3A_11 = tpu.iota {dimensions = array<i32: 1>} : vector<128x64x64xi32>
    %iota3A_12 = tpu.iota {dimensions = array<i32: 0>} : vector<64x64xi32>
    %iota3A_13 = tpu.iota {dimensions = array<i32: 1>} : vector<64x64xi32>
    %le3A = arith.cmpi sle, %iota3A_12, %iota3A_13 : vector<64x64xi32>
    %convert_element_type3A = arith.extui %le3A : vector<64x64xi1> to vector<64x64xi32>
    %convert_element_type3A_14 = arith.sitofp %convert_element_type3A : vector<64x64xi32> to vector<64x64xf32>
    %scan3A = arith.constant 0 : i32
    %scan3A_15 = arith.constant 27 : i32
    %scan3A_16 = arith.addi %scan3A, %scan3A_15 : i32
    %scan3A_17 = arith.constant 1 : i32
    %scan3A_18:2 = scf.for %scan3A_31 = %scan3A to %scan3A_16 step %scan3A_17 iter_args(%scan3A_32 = %broadcast_in_dim3A_8, %scan3A_33 = %broadcast_in_dim3A_10) -> (vector<128x64xf32>, vector<128x1xf32>)  : i32 {
      %get3A_34 = arith.index_cast %scan3A_31 : i32 to index
      %get3A_35 = arith.constant 0 : index
      %get3A_36 = arith.constant 0 : index
      %get3A_37 = vector.load %arg2[%get3A_34, %get3A_35, %get3A_36] : memref<27x128x64xi32, #tpu.memory_space<vmem>>, vector<1x128x64xi32>
      %get3A_38 = vector.shape_cast %get3A_37 : vector<1x128x64xi32> to vector<128x64xi32>
      %get3A_39 = arith.index_cast %scan3A_31 : i32 to index
      %get3A_40 = arith.constant 0 : index
      %get3A_41 = arith.constant 0 : index
      %get3A_42 = vector.load %arg3[%get3A_39, %get3A_40, %get3A_41] : memref<27x128x64xf32, #tpu.memory_space<vmem>>, vector<1x128x64xf32>
      %get3A_43 = vector.shape_cast %get3A_42 : vector<1x128x64xf32> to vector<128x64xf32>
      %sub3A_44 = vector.broadcast %get3A_1 : vector<128x1xf32> to vector<128x64xf32>
      %sub3A_45 = arith.subf %get3A_43, %sub3A_44 : vector<128x64xf32>
      %get3A_46 = arith.index_cast %scan3A_31 : i32 to index
      %get3A_47 = arith.constant 0 : index
      %get3A_48 = arith.constant 0 : index
      %get3A_49 = vector.load %arg4[%get3A_46, %get3A_47, %get3A_48] : memref<27x128x64xf32, #tpu.memory_space<vmem>>, vector<1x128x64xf32>
      %get3A_50 = vector.shape_cast %get3A_49 : vector<1x128x64xf32> to vector<128x64xf32>
      %sub3A_51 = vector.broadcast %get3A_4 : vector<128x1xf32> to vector<128x64xf32>
      %sub3A_52 = arith.subf %get3A_50, %sub3A_51 : vector<128x64xf32>
      %get3A_53 = arith.index_cast %scan3A_31 : i32 to index
      %get3A_54 = arith.constant 0 : index
      %get3A_55 = arith.constant 0 : index
      %get3A_56 = vector.load %arg5[%get3A_53, %get3A_54, %get3A_55] : memref<27x128x64xf32, #tpu.memory_space<vmem>>, vector<1x128x64xf32>
      %get3A_57 = vector.shape_cast %get3A_56 : vector<1x128x64xf32> to vector<128x64xf32>
      %sub3A_58 = vector.broadcast %get3A_7 : vector<128x1xf32> to vector<128x64xf32>
      %sub3A_59 = arith.subf %get3A_57, %sub3A_58 : vector<128x64xf32>
      %mul3A = arith.mulf %sub3A_45, %sub3A_45 : vector<128x64xf32>
      %mul3A_60 = arith.mulf %sub3A_52, %sub3A_52 : vector<128x64xf32>
      %add3A = arith.addf %mul3A, %mul3A_60 : vector<128x64xf32>
      %mul3A_61 = arith.mulf %sub3A_59, %sub3A_59 : vector<128x64xf32>
      %add3A_62 = arith.addf %add3A, %mul3A_61 : vector<128x64xf32>
      %sqrt3A = math.sqrt %add3A_62 : vector<128x64xf32>
      %get3A_63 = arith.index_cast %scan3A_31 : i32 to index
      %get3A_64 = arith.constant 0 : index
      %get3A_65 = arith.constant 0 : index
      %get3A_66 = vector.load %arg6[%get3A_63, %get3A_64, %get3A_65] : memref<27x128x1xi32, #tpu.memory_space<vmem>>, vector<1x128x1xi32>
      %get3A_67 = vector.shape_cast %get3A_66 : vector<1x128x1xi32> to vector<128x1xi32>
      %lt3A = vector.broadcast %get3A_67 : vector<128x1xi32> to vector<128x64xi32>
      %lt3A_68 = arith.cmpi slt, %iota3A, %lt3A : vector<128x64xi32>
      %le3A_69 = arith.constant 0.00999999977 : f32
      %le3A_70 = vector.broadcast %le3A_69 : f32 to vector<128x64xf32>
      %le3A_71 = arith.cmpf ole, %sqrt3A, %le3A_70 : vector<128x64xf32>
      %and3A = arith.andi %lt3A_68, %le3A_71 : vector<128x64xi1>
      %convert_element_type3A_72 = arith.extui %and3A : vector<128x64xi1> to vector<128x64xi32>
      %convert_element_type3A_73 = arith.sitofp %convert_element_type3A_72 : vector<128x64xi32> to vector<128x64xf32>
      %dot_general3A = arith.constant dense<0.000000e+00> : vector<128x64xf32>
      %dot_general3A_74 = tpu.matmul %convert_element_type3A_73, %convert_element_type3A_14, %dot_general3A {dimension_numbers = #tpu.dot_dimension_numbers<[1], [0], [0], [1], [0, 0, 1, 1], [], []>, transpose_lhs_hint = false} : vector<128x64xf32>, vector<64x64xf32>, vector<128x64xf32> -> vector<128x64xf32>
      %add3A_75 = vector.broadcast %scan3A_33 : vector<128x1xf32> to vector<128x64xf32>
      %add3A_76 = arith.addf %add3A_75, %dot_general3A_74 : vector<128x64xf32>
      %convert_element_type3A_77 = arith.fptosi %add3A_76 : vector<128x64xf32> to vector<128x64xi32>
      %sub3A_78 = arith.constant 1 : i32
      %sub3A_79 = vector.broadcast %sub3A_78 : i32 to vector<128x64xi32>
      %sub3A_80 = arith.subi %convert_element_type3A_77, %sub3A_79 : vector<128x64xi32>
      %jit3A = arith.constant -2 : i32
      %broadcast_in_dim3A_81 = vector.broadcast %jit3A : i32 to vector<128x64xi32>
      %select_n3A = arith.select %and3A, %sub3A_80, %broadcast_in_dim3A_81 : vector<128x64xi1>, vector<128x64xi32>
      %broadcast_in_dim3A_82 = vector.shape_cast %select_n3A : vector<128x64xi32> to vector<128x1x64xi32>
      %eq3A = vector.broadcast %broadcast_in_dim3A_82 : vector<128x1x64xi32> to vector<128x64x64xi32>
      %eq3A_83 = arith.cmpi eq, %eq3A, %iota3A_11 : vector<128x64x64xi32>
      %convert_element_type3A_84 = arith.sitofp %get3A_38 : vector<128x64xi32> to vector<128x64xf32>
      %add3A_85 = arith.constant 1.000000e+00 : f32
      %add3A_86 = vector.broadcast %add3A_85 : f32 to vector<128x64xf32>
      %add3A_87 = arith.addf %convert_element_type3A_84, %add3A_86 : vector<128x64xf32>
      %convert_element_type3A_88 = arith.extui %eq3A_83 : vector<128x64x64xi1> to vector<128x64x64xi32>
      %convert_element_type3A_89 = arith.sitofp %convert_element_type3A_88 : vector<128x64x64xi32> to vector<128x64x64xf32>
      %broadcast_in_dim3A_90 = vector.shape_cast %add3A_87 : vector<128x64xf32> to vector<128x1x64xf32>
      %mul3A_91 = vector.broadcast %broadcast_in_dim3A_90 : vector<128x1x64xf32> to vector<128x64x64xf32>
      %mul3A_92 = arith.mulf %convert_element_type3A_89, %mul3A_91 : vector<128x64x64xf32>
      %reduce_sum3A = arith.constant dense<0.000000e+00> : vector<128x64xf32>
      %reduce_sum3A_93 = vector.multi_reduction <add>, %mul3A_92, %reduce_sum3A [2] : vector<128x64x64xf32> to vector<128x64xf32>
      %add3A_94 = arith.addf %scan3A_32, %reduce_sum3A_93 : vector<128x64xf32>
      %slice3A = vector.extract_strided_slice %dot_general3A_74 {offsets = [0, 63], sizes = [128, 1], strides = [1, 1]} : vector<128x64xf32> to vector<128x1xf32>
      %add3A_95 = arith.addf %scan3A_33, %slice3A : vector<128x1xf32>
      scf.yield %add3A_94, %add3A_95 : vector<128x64xf32>, vector<128x1xf32>
    }
    %scan3A_19 = arith.constant 27 : i32
    %min3A = arith.constant 6.400000e+01 : f32
    %min3A_20 = vector.broadcast %min3A : f32 to vector<128x1xf32>
    %min3A_21 = arith.minimumf %scan3A_18#1, %min3A_20 : vector<128x1xf32>
    %convert_element_type3A_22 = arith.fptosi %scan3A_18#0 : vector<128x64xf32> to vector<128x64xi32>
    %sub3A = arith.constant 1 : i32
    %sub3A_23 = vector.broadcast %sub3A : i32 to vector<128x64xi32>
    %sub3A_24 = arith.subi %convert_element_type3A_22, %sub3A_23 : vector<128x64xi32>
    %swap3A = arith.constant 0 : index
    %swap3A_25 = arith.constant 0 : index
    %swap3A_26 = vector.load %arg7[%swap3A, %swap3A_25] : memref<128x64xi32, #tpu.memory_space<vmem>>, vector<128x64xi32>
    tpu.vector_store %arg7[%swap3A, %swap3A_25], %sub3A_24 {strides = array<i32>} : memref<128x64xi32, #tpu.memory_space<vmem>>, vector<128x64xi32>,
    %convert_element_type3A_27 = arith.fptosi %min3A_21 : vector<128x1xf32> to vector<128x1xi32>
    %swap3A_28 = arith.constant 0 : index
    %swap3A_29 = arith.constant 0 : index
    %swap3A_30 = vector.load %arg8[%swap3A_28, %swap3A_29] : memref<128x1xi32, #tpu.memory_space<vmem>>, vector<128x1xi32>
    tpu.vector_store %arg8[%swap3A_28, %swap3A_29], %convert_element_type3A_27 {strides = array<i32>} : memref<128x1xi32, #tpu.memory_space<vmem>>, vector<128x1xi32>,
    return
  }
  func.func @transform_0(%arg0: i32) -> (i32, i32) {
    %c0_i32 = arith.constant 0 : i32
    %c0_i32_0 = arith.constant 0 : i32
    return %arg0, %c0_i32 : i32, i32
  }
  func.func @transform_1(%arg0: i32) -> (i32, i32, i32) {
    %c0_i32 = arith.constant 0 : i32
    %c0_i32_0 = arith.constant 0 : i32
    %c0_i32_1 = arith.constant 0 : i32
    return %c0_i32, %arg0, %c0_i32_0 : i32, i32, i32
  }
  func.func @transform_2(%arg0: i32) -> (i32, i32, i32) {
    %c0_i32 = arith.constant 0 : i32
    %c0_i32_0 = arith.constant 0 : i32
    %c0_i32_1 = arith.constant 0 : i32
    return %c0_i32, %arg0, %c0_i32_0 : i32, i32, i32
  }
  func.func @transform_3(%arg0: i32) -> (i32, i32, i32) {
    %c0_i32 = arith.constant 0 : i32
    %c0_i32_0 = arith.constant 0 : i32
    %c0_i32_1 = arith.constant 0 : i32
    return %c0_i32, %arg0, %c0_i32_0 : i32, i32, i32
  }
  func.func @transform_4(%arg0: i32) -> (i32, i32, i32) {
    %c0_i32 = arith.constant 0 : i32
    %c0_i32_0 = arith.constant 0 : i32
    %c0_i32_1 = arith.constant 0 : i32
    return %c0_i32, %arg0, %c0_i32_0 : i32, i32, i32
  }
  func.func @transform_5(%arg0: i32) -> (i32, i32, i32) {
    %c0_i32 = arith.constant 0 : i32
    %c0_i32_0 = arith.constant 0 : i32
    %c0_i32_1 = arith.constant 0 : i32
    return %c0_i32, %arg0, %c0_i32_0 : i32, i32, i32
  }
  func.func @transform_6(%arg0: i32) -> (i32, i32) {
    %c0_i32 = arith.constant 0 : i32
    %c0_i32_0 = arith.constant 0 : i32
    return %arg0, %c0_i32 : i32, i32
  }
  func.func @transform_7(%arg0: i32) -> (i32, i32) {
    %c0_i32 = arith.constant 0 : i32
    %c0_i32_0 = arith.constant 0 : i32
    return %arg0, %c0_i32 : i32, i32
  }
}

</mosaic_0001>

<sc_bundles>
// kernel: gather_offload_async_start.1
scs
__scs_entry_jumppad:
0x0: {  	(pc) =	sbr.rel $0x88, $3  }
0x1: {  	(tag) =	ssettag $0x0;
	lr =	simm.s32 $0x1  }
0x2: {  	[smem:$0x3F9F] =	sst lr;
	_ =	strace $0xD0000000  }
0x3: {  	_ = 	snop  }
0x4: {  	_ = 	snop  }
0x5: {  	_ = 	snop  }
0x6: {  	_ = 	snop  }
0x7: {  	_ = 	snop  }
__scs_overlays_trampoline_lowered:
0x8: {  	[smem:$0x3FAE] =	sst s0  }
0x9: {  	[smem:$0x3FAF] =	sst s1  }
0xa: {  	[smem:$0x3FB0] =	sst s2  }
0xb: {  	[smem:$0x3FB1] =	sst s3  }
0xc: {  	[smem:$0x3FB2] =	sst s4  }
0xd: {  	[smem:$0x3FB3] =	sst s5  }
0xe: {  	[smem:$0x3FB4] =	sst s6  }
0xf: {  	[smem:$0x3FB5] =	sst s7  }
0x10: {  	[smem:$0x3FB6] =	sst s8  }
0x11: {  	[smem:$0x3FB7] =	sst s9;
	s0 =	simm.s32 @!p0 $0x0  }
0x12: {  	s1 =	sld [smem:$0x3F9D];
	s0 =	simm.s32 @p0 $0x1  }
0x13: {  	[smem:$0x3FB8] =	sst s0;
	s0 =	simm.s32 @!p1 $0x0  }
0x14: {  	s2 =	sld [smem:$0x3F9C];
	s0 =	simm.s32 @p1 $0x1  }
0x15: {  	[smem:$0x3FB9] =	sst s0;
	s0 =	simm.s32 @!p2 $0x0  }
0x16: {  	s3 =	sld [smem:$0x3FDB];
	s0 =	simm.s32 @p2 $0x1  }
0x17: {  	s4 =	simm.s32 $0x1BF5;
	[smem:$0x3FBB] =	sst s0  }
0x18: {  	s0 =	sld [smem:$0x3F9E];
	_ =	swait.ge [sflag:s4], $0x0  }
0x19: {  	s7 =	sld [smem:$0x3F9F]  }
0x1a: {  	s8 =	sadd.s32 $0xFFFFE003, lr  }
0x1b: {  	s9 =	sadd.s32 $0xFFFFFEF7, lr;
	s5 =	simm.s32 $0xFFFFFFFF;
	p2 =	slt.u32 s8, $0xFFFFF086  }
0x1c: {  	p1 =	slt.u32 s9, $0xF7A;
	s5 =	simm.s32 @!p2 $0x0  }
0x1d: {  	s5 =	simm.s32 @p1 $0x1;
	p0 =	seq.s32 s7, s2  }
0x1e: {  	s7 =	smul.u32 @!p0 $0xF7A, s2;
	p2 =	seq.s32 @!p0 s5, $0x0  }
0x1f: {  	s9 =	smul.u32 $0xF7A, s1;
	s8 =	simm.s32 @!p0 $0x1BF5;
	p2 =	por !p2, p0  }
0x20: {  	[sflag:s8] =	ssyncset.s32 @!p0 $0xFFFFF086;
	s6 =	sadd.s32 @!p0 s3, s7;
	s7 =	simm.s32 @!p0 $0x108  }
0x21: {  	s3 =	sadd.s32 s3, s9;
	s6 =	sadd.s32 @!p0 $0x88, s6;
	s7 =	simm.s32 @p2 $0x1082  }
0x22: {  	[simem:s7], [sflag:s8] =	dma.local @!p0 [hbm:s6], $0xF7A  }
0x23: {  	s9 =	sor.u32 $0xD0000000, s2;
	s6 =	simm.s32 $0x108;
	_ =	swait.ge @!p0 [sflag:s8], $0x0  }
0x24: {  	s3 =	sadd.s32 $0x88, s3;
	s6 =	simm.s32 @!p1 $0x1082;
	[sflag:s4] =	ssyncset.s32 $0xFFFFF086  }
0x25: {  	[simem:s6], [sflag:s4] =	dma.local [hbm:s3], $0xF7A  }
0x26: {  	[smem:$0x3F9F] =	sst s1;
	(tag) =	ssettag s2;
	_ =	strace s9  }
0x27: {  	s1 =	sld [smem:$0x3FAF]  }
0x28: {  	s2 =	sld [smem:$0x3FB0]  }
0x29: {  	s4 =	sld [smem:$0x3FB2]  }
0x2a: {  	p0 =	seq.s32 s5, $0x0;
	s5 =	sld [smem:$0x3FB3]  }
0x2b: {  	s6 =	sld [smem:$0x3FB4]  }
0x2c: {  	s7 =	sld [smem:$0x3FB5]  }
0x2d: {  	s3 =	simm.s32 $0x108;
	s8 =	sld [smem:$0x3FB6]  }
0x2e: {  	s3 =	simm.s32 @!p0 $0x1082;
	s9 =	sld [smem:$0x3FB7]  }
0x2f: {  	lr =	sadd.s32 s0, s3;
	s0 =	sld [smem:$0x3FAE]  }
0x30: {  	s3 =	sld [smem:$0x3FB1]  }
0x31: {  	[smem:$0x3FBA] =	sst s10  }
0x32: {  	s10 =	sld [smem:$0x3FB8];
	_ =	sdelay $0x3  }
0x33: {  	p0 =	seq.s32 s10, $0x1;
	s10 =	sld [smem:$0x3FBA];
	_ =	sdelay $0x3  }
0x34: {  	[smem:$0x3FBA] =	sst s10  }
0x35: {  	s10 =	sld [smem:$0x3FB9];
	_ =	sdelay $0x3  }
0x36: {  	p1 =	seq.s32 s10, $0x1;
	s10 =	sld [smem:$0x3FBA];
	_ =	sdelay $0x3  }
0x37: {  	[smem:$0x3FBA] =	sst s10  }
0x38: {  	s10 =	sld [smem:$0x3FBB]  }
0x39: {  	_ = 	snop;
	(pc) =	sbr.ind lr, $3  }
0x3a: {  	_ = 	snop  }
0x3b: {  	_ = 	snop  }
0x3c: {  	p2 =	seq.s32 s10, $0x1;
	s10 =	sld [smem:$0x3FBA]  }
0x3d: {  	_ =	shalt  }
0x3e: {  	_ =	shalt  }
0x3f: {  	_ =	shalt  }
0x40: {  	_ =	shalt  }
0x41: {  	_ =	shalt  }
0x42: {  	_ =	shalt  }
0x43: {  	_ =	shalt  }
0x44: {  	_ =	shalt  }
0x45: {  	_ =	shalt  }
0x46: {  	_ =	shalt  }
0x47: {  	_ =	shalt  }
0x48: {  	_ =	shalt  }
0x49: {  	_ =	shalt  }
0x4a: {  	_ =	shalt  }
0x4b: {  	_ =	shalt  }
0x4c: {  	_ =	shalt  }
0x4d: {  	_ =	shalt  }
0x4e: {  	_ =	shalt  }
0x4f: {  	_ =	shalt  }
0x50: {  	_ =	shalt  }
0x51: {  	_ =	shalt  }
0x52: {  	_ =	shalt  }
0x53: {  	_ =	shalt  }
0x54: {  	_ =	shalt  }
0x55: {  	_ =	shalt  }
0x56: {  	_ =	shalt  }
0x57: {  	_ =	shalt  }
0x58: {  	_ =	shalt  }
0x59: {  	_ =	shalt  }
0x5a: {  	_ =	shalt  }
0x5b: {  	_ =	shalt  }
0x5c: {  	_ =	shalt  }
0x5d: {  	_ =	shalt  }
0x5e: {  	_ =	shalt  }
0x5f: {  	_ =	shalt  }
0x60: {  	_ =	shalt  }
0x61: {  	_ =	shalt  }
0x62: {  	_ =	shalt  }
0x63: {  	_ =	shalt  }
0x64: {  	_ =	shalt  }
0x65: {  	_ =	shalt  }
0x66: {  	_ =	shalt  }
0x67: {  	_ =	shalt  }
0x68: {  	_ =	shalt  }
0x69: {  	_ =	shalt  }
0x6a: {  	_ =	shalt  }
0x6b: {  	_ =	shalt  }
0x6c: {  	_ =	shalt  }
0x6d: {  	_ =	shalt  }
0x6e: {  	_ =	shalt  }
0x6f: {  	_ =	shalt  }
0x70: {  	_ =	shalt  }
0x71: {  	_ =	shalt  }
0x72: {  	_ =	shalt  }
0x73: {  	_ =	shalt  }
0x74: {  	_ =	shalt  }
0x75: {  	_ =	shalt  }
0x76: {  	_ =	shalt  }
0x77: {  	_ =	shalt  }
0x78: {  	_ =	shalt  }
0x79: {  	_ =	shalt  }
0x7a: {  	_ =	shalt  }
0x7b: {  	_ =	shalt  }
0x7c: {  	_ =	shalt  }
0x7d: {  	_ =	shalt  }
0x7e: {  	_ =	shalt  }
0x7f: {  	_ =	shalt  }
0x80: {  	_ =	shalt  }
0x81: {  	_ =	shalt  }
0x82: {  	_ =	shalt  }
0x83: {  	_ =	shalt  }
0x84: {  	_ =	shalt  }
0x85: {  	_ =	shalt  }
0x86: {  	_ =	shalt  }
0x87: {  	_ =	shalt  }
.Lfunc_end0:
.L_simem_size_0:
called_computation.1_lowered:
.L_overlay_start_0:
0x88: {  	s2 =	sld [smem:$0x3FD9]  }
0x89: {  	s3 =	sld [smem:$0x3FFE];
	_ =	sdelay $0x1  }
0x8a: {  	s1 =	srdreg.scid  }
0x8b: {  	s0 =	sand.u32 $0x1, s1  }
0x8c: {  	s16 =	sshll.u32 s0, $0xA;
	s2 =	sadd.s32 s3, s2  }
0x8d: {  	s2 =	sadd.s32 s2, s16  }
0x8e: {  	[smem:$0x3FC6] =	sst s2  }
0x8f: {  	_ = 	snop  }
0x90: {  	(tm) =	ssettm $0x1  }
0x91: {  	s17 =	sld [smem:$0x3FFB];
	_ =	sdelay $0x3  }
0x92: {  	_ =	strace s17  }
0x93: {  	s2 =	sld [smem:$0x3FFC];
	_ =	sdelay $0x3  }
0x94: {  	_ =	strace s2  }
0x95: {  	s2 =	sld [smem:$0x3FFD];
	_ =	sdelay $0x3  }
0x96: {  	_ =	strace s2  }
0x97: {  	_ =	strace $0x8FFFFFFF  }
0x98: {  	s18 =	sld [smem:$0x3FDB];
	_ =	sdelay $0x1  }
0x99: {  	s19 =	simm.s32 $_scs_section_size  }
0x9a: {  	s4 =	simm.s32 $_size__tile_overlayer_lowered;
	s5 =	simm.s32 $_tile_overlayer_lowered  }
0x9b: {  	s22 =	simm.s32 $0x1BFF;
	s21 =	sshll.u32 s5, $0x1;
	s2 =	sadd.s32 s19, s18  }
0x9c: {  	s6 =	simm.s32 $0x0;
	s20 =	sshll.u32 s4, $0x1;
	s4 =	sadd.s32 s21, s2  }
0x9d: {  	[timem:s6], [sflag:s22] =	dma.local [hbm:s4], s20  }
0x9e: {  	_ =	swait.ge [sflag:s22], s20  }
0x9f: {  	s3 =	ssub.s32 $0x0, s20;
	[sflag:s22] =	ssyncset.done $0x0  }
0xa0: {  	[sflag:s22] =	ssyncadd.s32 s3;
	_ =	sdelay $0x1  }
0xa1: {  	s23 =	simm.s32 $0x1B8B  }
0xa2: {  	_ =	swait.ge [sflag:s23], $0x1  }
0xa3: {  	[sflag:s23] =	ssyncset.done $0x0  }
0xa4: {  	s25 =	simm.s32 $0x1B8E;
	s24 =	sld [smem:$0x3FFE];
	[sflag:s23] =	ssyncadd.s32 $0xFFFFFFFF  }
0xa5: {  	s26 =	simm.s32 $execute0_lowered;
	[smem:$0x3FD2] =	sst s25  }
0xa6: {  	s4 =	sshll.u32 s26, $0x1;
	_ =	strace $0x80000055;
	[dreg:$0x1] =	wrdreg $0xFFFFFFFF  }
0xa7: {  	s28 =	simm.s32 $_size_execute0_lowered;
	s2 =	sadd.s32 s2, s4;
	[dreg:$0x0] =	wrdreg $0x0  }
0xa8: {  	s4 =	sshll.u32 s28, $0x1;
	[dreg:$0x2] =	wrdreg s2  }
0xa9: {  	[dreg:$0x3] =	wrdreg s4  }
0xaa: {  	[dreg:$0x4] =	wrdreg $0xC0  }
0xab: {  	_ =	task [dreg:s6], $0x5FFFF  }
0xac: {  	[dreg:$0x1] =	wrdreg $0xFFFFFFFF  }
0xad: {  	[dreg:$0x0] =	wrdreg $0x60  }
0xae: {  	[dreg:$0x2] =	wrdreg s24  }
0xaf: {  	[dreg:$0x3] =	wrdreg $0x9  }
0xb0: {  	_ =	task.clear_ibuf [dreg:s6], $0x4FFFF;
	_ =	strace $0x90000055  }
0xb1: {  	s29 =	simm.s32 $0x9;
	_ =	strace $0x80000057  }
0xb2: {  	_ =	swait.ge [sflag:s29], $0x1  }
0xb3: {  	[sflag:s29] =	ssyncadd.s32 $0xFFFFFFFF  }
0xb4: {  	_ =	strace $0x90000057  }
0xb5: {  	_ =	sfence  }
0xb6: {  	s30 =	sld [smem:$0x0];
	_ =	sdelay $0x2  }
0xb7: {  	s31 =	sshll.u32 s1, $0xD;
	s1 =	sshrl.u32 s1, $0x2  }
0xb8: {  	s3 =	sand.u32 $0x4000, s31;
	s1 =	sadd.s32 s1, s30  }
0xb9: {  	s0 =	sor.u32 s3, s0;
	s1 =	sshll.u32 s1, $0x11  }
0xba: {  	s0 =	sor.u32 s1, s0  }
0xbb: {  	s0 =	sadd.s32 $0x8F2B, s0  }
0xbc: {  	[sflag:s0] =	ssyncadd.remote.s32 $0x1  }
0xbd: {  	_ =	sfence.sel $0xFFFF  }
0xbe: {  	[dreg:$0x0] =	wrdreg $0xFFFFFFFF;
	(pc) =	sbr.abs _section_cstart, $3  }
0xbf: {  	[dreg:$0x1] =	wrdreg $0xFFFFFFFF  }
0xc0: {  	_ =	task.clear_ibuf [dreg:s6], $0x2FFFF;
	_ =	strace $0x9FFFFFFF  }
0xc1: {  	(tm) =	ssettm $0x7FFFFFFF  }
tec
execute0_lowered:
.L_overlay_start_1:
0x0: {  	(tag) =	ssettag $0x1  }
0x1: {  	s8 =	rddreg [dreg:$0x0];
	s1 =	stileid.u32  }
0x2: {  	s2 =	srdreg.scid;
	s0 =	rddreg [dreg:$0x1]  }
0x3: {  	_ =	strace $0x80000056;
	s5 =	simm.s32 $0x1;
	s9 =	simm.s32 $0x1  }
0x4: {  	s10 =	simm.s32 $0x3;
	s2 =	sand.u32 $0x1, s2;
	s3 =	sshll.u32 s1, $0x1  }
0x5: {  	s13 =	simm.s32 $0x0;
	s12 =	simm.s32 $0x0;
	s6 =	sor.u32 s3, s2  }
0x6: {  	[sflag:s5] =	ssyncpa.u1 $0x0;
	s2 =	sadd.s32 $0x94000, s8;
	s4 =	smul.u32 $0xC00, s6  }
0x7: {  	s3 =	sadd.s32 $0x54600, s8;
	p0 =	slt.u32 s6, $0x5;
	s6 =	simm.s32 $0x18000  }
.Ltmp0:
0x8: {  	s6 =	simm.s32 @!p0 $0x0;
	s7 =	ssub.s32 $0x1B000, s4;
	(pc) =	sbr.rel .LBB2_1-.Ltmp0, $4  }
0x9: {  	s9 =	simm.s32 @!p0 $0x0;
	p0 =	sne.s32 s7, s6;
	s7 =	simm.s32 $0x1  }
0xa: {  	s8 =	sadd.s32 $0x57C00, s8;
	s6 =	simm.s32 $0x2;
	s7 =	simm.s32 @!p0 $0x0  }
0xb: {  	s11 =	smov.u32 s4;
	[sflag:s6] =	ssyncpa.u1 $0x0;
	s7 =	sadd.s32 s9, s7  }
0xc: {  	vm0 =	vmmov $0xffff;
	[sflag:s10] =	ssyncpa.u1 $0x0;
	s10 =	simm.s32 $0x0;
	s9 =	sadd.s32 $0x1, s7  }
.LBB2_4:
0xd: {  	v2 =	vnsel vm1, $0x0, v2  }
0xe: {  	vm1 =	vgt.s32 v0, $0x0;
	v2 =	vmin.u32 v2, $0x1869F  }
0xf: {  	v0 =	vnsel vm1, $0x0, v0  }
0x10: {  	v0 =	vmin.u32 v0, $0x1869F  }
0x11: {  	[tilespmem:s18], [sflag:$0x1] =	stream.indirect_vreg.gather [hbm4b:s2+s10], $0x1, v1, vm0, $0x4038;
	[tilespmem:$0x3000] =	vst v63  }
0x12: {  	(ifvalue) =	ssetifvalue $0x7FFFFFFF  }
0x13: {  	[tilespmem:s15], [sflag:$0x1] =	stream.indirect_vreg.gather [hbm4b:s2+s10], $0x1, v2, vm0, $0x4038;
	[tilespmem:$0x3000] =	vst v63  }
0x14: {  	s29 =	sadd.s32 $0x10, s15;
	(ifvalue) =	ssetifvalue $0x7FFFFFFF  }
0x15: {  	[tilespmem:s29], [sflag:$0x1] =	stream.indirect_vreg.gather [hbm4b:s2+s10], $0x1, v0, vm0, $0x4038;
	[tilespmem:$0x3000] =	vst v63  }
0x16: {  	_ =	swait.ge [sflag:s5], $0xC00  }
0x17: {  	s30 =	sshrl.u32 s13, $0x3;
	[sflag:s5] =	ssyncset.done $0x0  }
0x18: {  	s31 =	sand.u32 $0x7, s13;
	s15 =	sadd.s32 s8, s30;
	[sflag:s5] =	ssyncadd.s32 $0xFFFFF400  }
0x19: {  	[hbm4b:s15+s31] =	stream.linear.scatter [tilespmem:s14], [sflag:$0x3], $0xC00, $0x38;
	[tilespmem:$0x3000] =	vst v63  }
.LBB2_5:
0x1a: {  	s15 =	sadd.s32 $0x18000, s11  }
0x1b: {  	p1 =	sgt.s32 s15, $0x1AFFF  }
0x1c: {  	s15 =	smov.u32 @p1 s4;
	p1 =	sne.s32 s12, s9  }
.Ltmp1:
0x1d: {  	p0 =	slt.u32 s12, $0x2;
	(pc) =	sbr.rel @!p1 .LBB2_6-.Ltmp1, $4  }
0x1e: {  	s14 =	simm.s32 @!p0 $0x3  }
0x1f: {  	_ =	swait.ge @!p0 [sflag:s14], $0xC00  }
0x20: {  	s16 =	sadd.s32 $0x1, s12;
	s13 =	smov.u32 s11;
	[sflag:s14] =	ssyncset.done @!p0 $0x0  }
0x21: {  	s12 =	smov.u32 s16;
	s11 =	smov.u32 s15;
	[sflag:s14] =	ssyncadd.s32 @!p0 $0xFFFFF400  }
.LBB2_1:
0x22: {  	p0 =	sge.u32 s12, s7  }
0x23: {  	s14 =	sxor.u32 @!p0 $0x1, s12  }
0x24: {  	s14 =	smul.u32 @!p0 $0x3000, s14  }
0x25: {  	s31 =	sadd.s32 $0xFFFFFFFF, s12;
	s15 =	sshrl.u32 @!p0 s11, $0x3  }
0x26: {  	s16 =	sand.u32 @!p0 $0x7, s11;
	s15 =	sadd.s32 @!p0 s3, s15;
	s14 =	sshra.s32 @!p0 s14, $0x2  }
0x27: {  	[tilespmem:s14], [sflag:$0x2] =	stream.linear.gather @!p0 [hbm4b:s15+s16], $0xC00, $0x38;
	[tilespmem:$0x3000] =	vst v63  }
0x28: {  	p0 =	sge.u32 s31, s7  }
.Ltmp2:
0x29: {  	_ = 	snop;
	(pc) =	sbr.rel @p0 .LBB2_5-.Ltmp2, $1  }
0x2a: {  	_ =	sdelay $0x3  }
0x2b: {  	s14 =	sand.u32 $0x1, s12  }
0x2c: {  	_ =	swait.ge [sflag:s6], $0xC00;
	p0 =	seq.s32 s14, $0x1;
	s14 =	simm.s32 $0xC00  }
0x2d: {  	[sflag:s6] =	ssyncset.done $0x0;
	s14 =	simm.s32 @!p0 $0x0  }
0x2e: {  	[sflag:s6] =	ssyncadd.s32 $0xFFFFF400;
	(ifvalue) =	ssetifvalue $0x7FFFFFFF;
	v0 =	vld.msk [tilespmem:s14+$0x0 ss:$0x1], $0xffff;
	_ =	sdelay $0x4  }
0x2f: {  	s15 =	sadd.s32 $0x10, s14;
	vm1 =	vgt.s32 v0, $0x0  }
0x30: {  	v2 =	vld.msk [tilespmem:s15+$0x0 ss:$0x1], $0xffff;
	v1 =	vnsel vm1, $0x0, v0  }
0x31: {  	v1 =	vmin.u32 v1, $0x1869F;
	_ =	sdelay $0x2  }
0x32: {  	s17 =	simm.s32 $0x20;
	s14 =	sadd.s32 $0x1800, s14;
	s16 =	sadd.s32 $0x10, s15  }
0x33: {  	s15 =	sadd.s32 $0x10, s14;
	s18 =	smov.u32 s14;
	v0 =	vld.msk [tilespmem:s16+$0x0 ss:$0x1], $0xffff;
	vm1 =	vgt.s32 v2, $0x0;
	(ifvalue) =	ssetifvalue $0x7FFFFFFF  }
.LBB2_3:
0x34: {  	[tilespmem:s18], [sflag:$0x1] =	stream.indirect_vreg.gather [hbm4b:s2+s10], $0x1, v1, vm0, $0x4038;
	[tilespmem:$0x3000] =	vst v63  }
0x35: {  	s17 =	sadd.s32 $0x10, s17  }
0x36: {  	v2 =	vnsel vm1, $0x0, v2;
	p0 =	slt.u32 s17, $0xBF0  }
.Ltmp3:
0x37: {  	s18 =	smov.u32 s15;
	v1 =	vmin.u32 v2, $0x1869F;
	(pc) =	sbr.rel @p0 .LBB2_3-.Ltmp3, $3  }
0x38: {  	_ =	sdelay $0x1  }
0x39: {  	s16 =	sadd.s32 $0x10, s16  }
0x3a: {  	vm1 =	vgt.s32 v0, $0x0;
	s15 =	sadd.s32 $0x10, s15;
	v2 =	vmov v0;
	(ifvalue) =	ssetifvalue $0x7FFFFFFF;
	v0 =	vld.msk [tilespmem:s16+$0x0 ss:$0x1], $0xffff  }
.Ltmp4:
0x3b: {  	_ = 	snop;
	(pc) =	sbr.rel .LBB2_4-.Ltmp4, $1  }
0x3c: {  	_ =	sdelay $0x3  }
.LBB2_6:
0x3d: {  	_ =	sfence.sel $0x180000  }
0x3e: {  	s2 =	simm.s32 $0x2;
	[bflag:$0x0] =	sbarrier.arrive $0xFFFF  }
0x3f: {  	s30 =	simm.s32 $0x3;
	[sflag:s2] =	ssyncpa.u1 $0x1  }
0x40: {  	s31 =	simm.s32 $0x1;
	[sflag:s30] =	ssyncpa.u1 $0x1  }
0x41: {  	[sflag:s31] =	ssyncpa.u1 $0x1  }
0x42: {  	p0 =	sne.s32 s1, $0x0;
	_ =	strace $0x90000056  }
0x43: {  	s0 =	sadd.s32 @!p0 $0x100000, s0;
	[bflag:$0x2] =	sbarrier.arrive $0xFFFF  }
0x44: {  	[sflag:s0] =	ssyncadd.tile.s32 @!p0 $0x1;
	_ =	shalt  }
.Lfunc_end2:
_tile_overlayer_lowered:
.L_overlay_start_2:
0x45: {  	(tag) =	ssettag $0x2  }
0x46: {  	s0 =	rddreg [dreg:$0x0];
	s2 =	stileid.u32  }
0x47: {  	s1 =	rddreg [dreg:$0x1];
	p0 =	sne.s32 s2, $0x0  }
0x48: {  	s3 =	rddreg [dreg:$0x2];
	[bflag:$0x3] =	sbarrier.arrive $0xFFFF;
	s2 =	simm.s32 @!p0 $0x1C01  }
0x49: {  	[timem:s3], [sflag:s2] =	dma.local @!p0 [hbm:s0], s1  }
0x4a: {  	s0 =	simm.s32 @!p0 $0x1  }
0x4b: {  	_ =	swait.ge @!p0 [sflag:s0], s1  }
0x4c: {  	s1 =	ssub.s32 @!p0 $0x0, s1;
	[sflag:s0] =	ssyncset.done @!p0 $0x0  }
0x4d: {  	[sflag:s0] =	ssyncadd.s32 @!p0 s1  }
0x4e: {  	[bflag:$0x3] =	sbarrier.arrive $0xFFFF  }
0x4f: {  	_ =	shalt  }

// kernel: gather_offload_async_start.2
scs
__scs_entry_jumppad:
0x0: {  	(pc) =	sbr.rel $0x88, $3  }
0x1: {  	(tag) =	ssettag $0x0;
	lr =	simm.s32 $0x1  }
0x2: {  	[smem:$0x3F9F] =	sst lr;
	_ =	strace $0xD0000000  }
0x3: {  	_ = 	snop  }
0x4: {  	_ = 	snop  }
0x5: {  	_ = 	snop  }
0x6: {  	_ = 	snop  }
0x7: {  	_ = 	snop  }
__scs_overlays_trampoline_lowered:
0x8: {  	[smem:$0x3FAE] =	sst s0  }
0x9: {  	[smem:$0x3FAF] =	sst s1  }
0xa: {  	[smem:$0x3FB0] =	sst s2  }
0xb: {  	[smem:$0x3FB1] =	sst s3  }
0xc: {  	[smem:$0x3FB2] =	sst s4  }
0xd: {  	[smem:$0x3FB3] =	sst s5  }
0xe: {  	[smem:$0x3FB4] =	sst s6  }
0xf: {  	[smem:$0x3FB5] =	sst s7  }
0x10: {  	[smem:$0x3FB6] =	sst s8  }
0x11: {  	[smem:$0x3FB7] =	sst s9;
	s0 =	simm.s32 @!p0 $0x0  }
0x12: {  	s1 =	sld [smem:$0x3F9D];
	s0 =	simm.s32 @p0 $0x1  }
0x13: {  	[smem:$0x3FB8] =	sst s0;
	s0 =	simm.s32 @!p1 $0x0  }
0x14: {  	s2 =	sld [smem:$0x3F9C];
	s0 =	simm.s32 @p1 $0x1  }
0x15: {  	[smem:$0x3FB9] =	sst s0;
	s0 =	simm.s32 @!p2 $0x0  }
0x16: {  	s3 =	sld [smem:$0x3FDB];
	s0 =	simm.s32 @p2 $0x1  }
0x17: {  	s4 =	simm.s32 $0x1BF5;
	[smem:$0x3FBB] =	sst s0  }
0x18: {  	s0 =	sld [smem:$0x3F9E];
	_ =	swait.ge [sflag:s4], $0x0  }
0x19: {  	s7 =	sld [smem:$0x3F9F]  }
0x1a: {  	s8 =	sadd.s32 $0xFFFFE003, lr  }
0x1b: {  	s9 =	sadd.s32 $0xFFFFFEF7, lr;
	s5 =	simm.s32 $0xFFFFFFFF;
	p2 =	slt.u32 s8, $0xFFFFF086  }
0x1c: {  	p1 =	slt.u32 s9, $0xF7A;
	s5 =	simm.s32 @!p2 $0x0  }
0x1d: {  	s5 =	simm.s32 @p1 $0x1;
	p0 =	seq.s32 s7, s2  }
0x1e: {  	s7 =	smul.u32 @!p0 $0xF7A, s2;
	p2 =	seq.s32 @!p0 s5, $0x0  }
0x1f: {  	s9 =	smul.u32 $0xF7A, s1;
	s8 =	simm.s32 @!p0 $0x1BF5;
	p2 =	por !p2, p0  }
0x20: {  	[sflag:s8] =	ssyncset.s32 @!p0 $0xFFFFF086;
	s6 =	sadd.s32 @!p0 s3, s7;
	s7 =	simm.s32 @!p0 $0x108  }
0x21: {  	s3 =	sadd.s32 s3, s9;
	s6 =	sadd.s32 @!p0 $0x88, s6;
	s7 =	simm.s32 @p2 $0x1082  }
0x22: {  	[simem:s7], [sflag:s8] =	dma.local @!p0 [hbm:s6], $0xF7A  }
0x23: {  	s9 =	sor.u32 $0xD0000000, s2;
	s6 =	simm.s32 $0x108;
	_ =	swait.ge @!p0 [sflag:s8], $0x0  }
0x24: {  	s3 =	sadd.s32 $0x88, s3;
	s6 =	simm.s32 @!p1 $0x1082;
	[sflag:s4] =	ssyncset.s32 $0xFFFFF086  }
0x25: {  	[simem:s6], [sflag:s4] =	dma.local [hbm:s3], $0xF7A  }
0x26: {  	[smem:$0x3F9F] =	sst s1;
	(tag) =	ssettag s2;
	_ =	strace s9  }
0x27: {  	s1 =	sld [smem:$0x3FAF]  }
0x28: {  	s2 =	sld [smem:$0x3FB0]  }
0x29: {  	s4 =	sld [smem:$0x3FB2]  }
0x2a: {  	p0 =	seq.s32 s5, $0x0;
	s5 =	sld [smem:$0x3FB3]  }
0x2b: {  	s6 =	sld [smem:$0x3FB4]  }
0x2c: {  	s7 =	sld [smem:$0x3FB5]  }
0x2d: {  	s3 =	simm.s32 $0x108;
	s8 =	sld [smem:$0x3FB6]  }
0x2e: {  	s3 =	simm.s32 @!p0 $0x1082;
	s9 =	sld [smem:$0x3FB7]  }
0x2f: {  	lr =	sadd.s32 s0, s3;
	s0 =	sld [smem:$0x3FAE]  }
0x30: {  	s3 =	sld [smem:$0x3FB1]  }
0x31: {  	[smem:$0x3FBA] =	sst s10  }
0x32: {  	s10 =	sld [smem:$0x3FB8];
	_ =	sdelay $0x3  }
0x33: {  	p0 =	seq.s32 s10, $0x1;
	s10 =	sld [smem:$0x3FBA];
	_ =	sdelay $0x3  }
0x34: {  	[smem:$0x3FBA] =	sst s10  }
0x35: {  	s10 =	sld [smem:$0x3FB9];
	_ =	sdelay $0x3  }
0x36: {  	p1 =	seq.s32 s10, $0x1;
	s10 =	sld [smem:$0x3FBA];
	_ =	sdelay $0x3  }
0x37: {  	[smem:$0x3FBA] =	sst s10  }
0x38: {  	s10 =	sld [smem:$0x3FBB]  }
0x39: {  	_ = 	snop;
	(pc) =	sbr.ind lr, $3  }
0x3a: {  	_ = 	snop  }
0x3b: {  	_ = 	snop  }
0x3c: {  	p2 =	seq.s32 s10, $0x1;
	s10 =	sld [smem:$0x3FBA]  }
0x3d: {  	_ =	shalt  }
0x3e: {  	_ =	shalt  }
0x3f: {  	_ =	shalt  }
0x40: {  	_ =	shalt  }
0x41: {  	_ =	shalt  }
0x42: {  	_ =	shalt  }
0x43: {  	_ =	shalt  }
0x44: {  	_ =	shalt  }
0x45: {  	_ =	shalt  }
0x46: {  	_ =	shalt  }
0x47: {  	_ =	shalt  }
0x48: {  	_ =	shalt  }
0x49: {  	_ =	shalt  }
0x4a: {  	_ =	shalt  }
0x4b: {  	_ =	shalt  }
0x4c: {  	_ =	shalt  }
0x4d: {  	_ =	shalt  }
0x4e: {  	_ =	shalt  }
0x4f: {  	_ =	shalt  }
0x50: {  	_ =	shalt  }
0x51: {  	_ =	shalt  }
0x52: {  	_ =	shalt  }
0x53: {  	_ =	shalt  }
0x54: {  	_ =	shalt  }
0x55: {  	_ =	shalt  }
0x56: {  	_ =	shalt  }
0x57: {  	_ =	shalt  }
0x58: {  	_ =	shalt  }
0x59: {  	_ =	shalt  }
0x5a: {  	_ =	shalt  }
0x5b: {  	_ =	shalt  }
0x5c: {  	_ =	shalt  }
0x5d: {  	_ =	shalt  }
0x5e: {  	_ =	shalt  }
0x5f: {  	_ =	shalt  }
0x60: {  	_ =	shalt  }
0x61: {  	_ =	shalt  }
0x62: {  	_ =	shalt  }
0x63: {  	_ =	shalt  }
0x64: {  	_ =	shalt  }
0x65: {  	_ =	shalt  }
0x66: {  	_ =	shalt  }
0x67: {  	_ =	shalt  }
0x68: {  	_ =	shalt  }
0x69: {  	_ =	shalt  }
0x6a: {  	_ =	shalt  }
0x6b: {  	_ =	shalt  }
0x6c: {  	_ =	shalt  }
0x6d: {  	_ =	shalt  }
0x6e: {  	_ =	shalt  }
0x6f: {  	_ =	shalt  }
0x70: {  	_ =	shalt  }
0x71: {  	_ =	shalt  }
0x72: {  	_ =	shalt  }
0x73: {  	_ =	shalt  }
0x74: {  	_ =	shalt  }
0x75: {  	_ =	shalt  }
0x76: {  	_ =	shalt  }
0x77: {  	_ =	shalt  }
0x78: {  	_ =	shalt  }
0x79: {  	_ =	shalt  }
0x7a: {  	_ =	shalt  }
0x7b: {  	_ =	shalt  }
0x7c: {  	_ =	shalt  }
0x7d: {  	_ =	shalt  }
0x7e: {  	_ =	shalt  }
0x7f: {  	_ =	shalt  }
0x80: {  	_ =	shalt  }
0x81: {  	_ =	shalt  }
0x82: {  	_ =	shalt  }
0x83: {  	_ =	shalt  }
0x84: {  	_ =	shalt  }
0x85: {  	_ =	shalt  }
0x86: {  	_ =	shalt  }
0x87: {  	_ =	shalt  }
.Lfunc_end0:
.L_simem_size_0:
called_computation.2_lowered:
.L_overlay_start_0:
0x88: {  	s2 =	sld [smem:$0x3FD9]  }
0x89: {  	s3 =	sld [smem:$0x3FFE];
	_ =	sdelay $0x1  }
0x8a: {  	s1 =	srdreg.scid  }
0x8b: {  	s0 =	sand.u32 $0x1, s1  }
0x8c: {  	s14 =	sshll.u32 s0, $0xA;
	s2 =	sadd.s32 s3, s2  }
0x8d: {  	s2 =	sadd.s32 s2, s14  }
0x8e: {  	[smem:$0x3FC6] =	sst s2  }
0x8f: {  	_ = 	snop  }
0x90: {  	s2 =	sld [smem:$0x3FD0];
	_ =	sdelay $0x2  }
0x91: {  	s15 =	simm.s32 $0xA;
	s4 =	simm.s32 $0x10  }
0x92: {  	[smem:s4], [sflag:s15] =	dma.local [hbm:s2], $0x1  }
0x93: {  	_ =	swait.eq [sflag:s15], $0x1  }
0x94: {  	[sflag:s15] =	ssyncset.done $0x0  }
0x95: {  	[sflag:s15] =	ssyncadd.s32 $0xFFFFFFFF  }
0x96: {  	s16 =	sld [smem:$0x10];
	(tm) =	ssettm $0x1  }
0x97: {  	s17 =	sld [smem:$0x3FFB];
	_ =	sdelay $0x3  }
0x98: {  	_ =	strace s17  }
0x99: {  	s3 =	sld [smem:$0x3FFC];
	_ =	sdelay $0x3  }
0x9a: {  	_ =	strace s3  }
0x9b: {  	s3 =	sld [smem:$0x3FFD];
	_ =	sdelay $0x3  }
0x9c: {  	_ =	strace s3  }
0x9d: {  	_ =	strace $0x8FFFFFFF  }
0x9e: {  	s18 =	sld [smem:$0x3FDB];
	_ =	sdelay $0x1  }
0x9f: {  	s19 =	simm.s32 $_scs_section_size  }
0xa0: {  	s5 =	simm.s32 $_size__tile_overlayer_lowered;
	s6 =	simm.s32 $_tile_overlayer_lowered  }
0xa1: {  	s22 =	simm.s32 $0x1BFF;
	s21 =	sshll.u32 s6, $0x1;
	s3 =	sadd.s32 s19, s18  }
0xa2: {  	s7 =	simm.s32 $0x0;
	s20 =	sshll.u32 s5, $0x1;
	s5 =	sadd.s32 s21, s3  }
0xa3: {  	[timem:s7], [sflag:s22] =	dma.local [hbm:s5], s20  }
0xa4: {  	_ =	swait.ge [sflag:s22], s20  }
0xa5: {  	s4 =	ssub.s32 $0x0, s20;
	[sflag:s22] =	ssyncset.done $0x0  }
0xa6: {  	[sflag:s22] =	ssyncadd.s32 s4;
	_ =	sdelay $0x1  }
0xa7: {  	s23 =	simm.s32 $0x1B8B  }
0xa8: {  	_ =	swait.ge [sflag:s23], $0x1  }
0xa9: {  	[sflag:s23] =	ssyncset.done $0x0  }
0xaa: {  	s25 =	simm.s32 $0x1B8E;
	s24 =	sld [smem:$0x3FFE];
	[sflag:s23] =	ssyncadd.s32 $0xFFFFFFFF  }
0xab: {  	s26 =	simm.s32 $execute0_lowered;
	[smem:$0x3FD2] =	sst s25  }
0xac: {  	s5 =	sshll.u32 s26, $0x1;
	_ =	strace $0x80000046;
	[dreg:$0x1] =	wrdreg $0xFFFFFFFF  }
0xad: {  	s28 =	simm.s32 $_size_execute0_lowered;
	s3 =	sadd.s32 s3, s5;
	[dreg:$0x0] =	wrdreg $0x0  }
0xae: {  	s5 =	sshll.u32 s28, $0x1;
	[dreg:$0x2] =	wrdreg s3  }
0xaf: {  	[dreg:$0x3] =	wrdreg s5  }
0xb0: {  	[dreg:$0x4] =	wrdreg $0xC0  }
0xb1: {  	_ =	task [dreg:s7], $0x5FFFF  }
0xb2: {  	[dreg:$0x1] =	wrdreg $0xFFFFFFFF  }
0xb3: {  	[dreg:$0x0] =	wrdreg $0x60  }
0xb4: {  	[dreg:$0x2] =	wrdreg s16  }
0xb5: {  	[dreg:$0x3] =	wrdreg s24  }
0xb6: {  	[dreg:$0x4] =	wrdreg $0x9  }
0xb7: {  	_ =	task.clear_ibuf [dreg:s7], $0x5FFFF;
	_ =	strace $0x90000046  }
0xb8: {  	s29 =	simm.s32 $0x9;
	_ =	strace $0x80000048  }
0xb9: {  	_ =	swait.ge [sflag:s29], $0x1  }
0xba: {  	[sflag:s29] =	ssyncadd.s32 $0xFFFFFFFF  }
0xbb: {  	_ =	strace $0x90000048  }
0xbc: {  	_ =	sfence  }
0xbd: {  	s30 =	sld [smem:$0x0];
	_ =	sdelay $0x2  }
0xbe: {  	s31 =	sshll.u32 s1, $0xD;
	s1 =	sshrl.u32 s1, $0x2  }
0xbf: {  	s3 =	sand.u32 $0x4000, s31;
	s1 =	sadd.s32 s1, s30  }
0xc0: {  	s0 =	sor.u32 s3, s0;
	s1 =	sshll.u32 s1, $0x11  }
0xc1: {  	s0 =	sor.u32 s1, s0  }
0xc2: {  	s0 =	sadd.s32 $0x8F2B, s0  }
0xc3: {  	[sflag:s0] =	ssyncadd.remote.s32 $0x1  }
0xc4: {  	_ =	sfence.sel $0xFFFF  }
0xc5: {  	[dreg:$0x0] =	wrdreg $0xFFFFFFFF;
	(pc) =	sbr.abs _section_cstart, $3  }
0xc6: {  	[dreg:$0x1] =	wrdreg $0xFFFFFFFF  }
0xc7: {  	_ =	task.clear_ibuf [dreg:s7], $0x2FFFF;
	_ =	strace $0x9FFFFFFF  }
0xc8: {  	(tm) =	ssettm $0x7FFFFFFF  }
0xc9: {  	_ =	shalt  }
tec
execute0_lowered:
.L_overlay_start_1:
0x0: {  	(tag) =	ssettag $0x1  }
0x1: {  	s2 =	rddreg [dreg:$0x0]  }
0x2: {  	s8 =	rddreg [dreg:$0x1]  }
0x3: {  	s0 =	rddreg [dreg:$0x2];
	s1 =	stileid.u32  }
0x4: {  	s3 =	srdreg.scid;
	_ =	strace $0x80000047;
	s4 =	simm.s32 $0x1  }
0x5: {  	s7 =	simm.s32 $0x1;
	s9 =	simm.s32 $0x1;
	s10 =	simm.s32 $0x3  }
0x6: {  	s13 =	simm.s32 $0x0;
	s5 =	sand.u32 $0x1, s3;
	s6 =	sshll.u32 s1, $0x1  }
0x7: {  	s12 =	simm.s32 $0x0;
	s3 =	sadd.s32 $0x60E00, s8;
	s5 =	sor.u32 s6, s5  }
.Ltmp0:
0x8: {  	[sflag:s4] =	ssyncpa.u1 $0x0;
	p0 =	slt.u32 s5, $0x13;
	(pc) =	sbr.rel .LBB2_1-.Ltmp0, $4  }
0x9: {  	s6 =	simm.s32 $0x2;
	s7 =	simm.s32 @!p0 $0x0;
	p0 =	sne.s32 s5, $0x12  }
0xa: {  	[sflag:s6] =	ssyncpa.u1 $0x0;
	s5 =	smul.u32 $0x7D0, s5;
	s9 =	simm.s32 @!p0 $0x0  }
0xb: {  	s8 =	sadd.s32 $0x94000, s8;
	[sflag:s10] =	ssyncpa.u1 $0x0;
	s7 =	sadd.s32 s9, s7  }
0xc: {  	vm0 =	vmmov $0xffff;
	s10 =	simm.s32 $0x0;
	s11 =	smov.u32 s5;
	s9 =	sadd.s32 $0x1, s7  }
.LBB2_4:
0xd: {  	v2 =	vnsel vm1, $0x0, v2  }
0xe: {  	vm1 =	vgt.s32 v0, $0x0;
	v2 =	vmin.u32 v2, $0x1869F  }
0xf: {  	v0 =	vnsel vm1, $0x0, v0  }
0x10: {  	v0 =	vmin.u32 v0, $0x1869F  }
0x11: {  	[tilespmem:s18], [sflag:$0x1] =	stream.indirect_vreg.gather [hbm4b:s2+s10], $0x1, v1, vm0, $0x4038;
	[tilespmem:$0x1F40] =	vst v63  }
0x12: {  	(ifvalue) =	ssetifvalue $0x7FFFFFFF  }
0x13: {  	[tilespmem:s15], [sflag:$0x1] =	stream.indirect_vreg.gather [hbm4b:s2+s10], $0x1, v2, vm0, $0x4038;
	[tilespmem:$0x1F40] =	vst v63  }
0x14: {  	s29 =	sadd.s32 $0x10, s15;
	(ifvalue) =	ssetifvalue $0x7FFFFFFF  }
0x15: {  	[tilespmem:s29], [sflag:$0x1] =	stream.indirect_vreg.gather [hbm4b:s2+s10], $0x1, v0, vm0, $0x4038;
	[tilespmem:$0x1F40] =	vst v63  }
0x16: {  	_ =	swait.ge [sflag:s4], $0x7D0  }
0x17: {  	s30 =	sshrl.u32 s13, $0x3;
	[sflag:s4] =	ssyncset.done $0x0  }
0x18: {  	s31 =	sand.u32 $0x7, s13;
	s15 =	sadd.s32 s8, s30;
	[sflag:s4] =	ssyncadd.s32 $0xFFFFF830  }
0x19: {  	[hbm4b:s15+s31] =	stream.linear.scatter [tilespmem:s14], [sflag:$0x3], $0x7D0, $0x38;
	[tilespmem:$0x1F40] =	vst v63  }
.LBB2_5:
0x1a: {  	s15 =	sadd.s32 $0xFA00, s11  }
0x1b: {  	p1 =	sgt.s32 s15, $0x1869F  }
0x1c: {  	s15 =	smov.u32 @p1 s5;
	p1 =	sne.s32 s12, s9  }
.Ltmp1:
0x1d: {  	p0 =	slt.u32 s12, $0x2;
	(pc) =	sbr.rel @!p1 .LBB2_6-.Ltmp1, $4  }
0x1e: {  	s14 =	simm.s32 @!p0 $0x3  }
0x1f: {  	_ =	swait.ge @!p0 [sflag:s14], $0x7D0  }
0x20: {  	s16 =	sadd.s32 $0x1, s12;
	s13 =	smov.u32 s11;
	[sflag:s14] =	ssyncset.done @!p0 $0x0  }
0x21: {  	s12 =	smov.u32 s16;
	s11 =	smov.u32 s15;
	[sflag:s14] =	ssyncadd.s32 @!p0 $0xFFFFF830  }
.LBB2_1:
0x22: {  	p0 =	sge.u32 s12, s7  }
0x23: {  	s14 =	sxor.u32 @!p0 $0x1, s12  }
0x24: {  	s14 =	smul.u32 @!p0 $0x1F40, s14  }
0x25: {  	s31 =	sadd.s32 $0xFFFFFFFF, s12;
	s15 =	sshrl.u32 @!p0 s11, $0x3  }
0x26: {  	s16 =	sand.u32 @!p0 $0x7, s11;
	s15 =	sadd.s32 @!p0 s3, s15;
	s14 =	sshra.s32 @!p0 s14, $0x2  }
0x27: {  	[tilespmem:s14], [sflag:$0x2] =	stream.linear.gather @!p0 [hbm4b:s15+s16], $0x7D0, $0x38;
	[tilespmem:$0x1F40] =	vst v63  }
0x28: {  	p0 =	sge.u32 s31, s7  }
.Ltmp2:
0x29: {  	_ = 	snop;
	(pc) =	sbr.rel @p0 .LBB2_5-.Ltmp2, $1  }
0x2a: {  	_ =	sdelay $0x3  }
0x2b: {  	s14 =	sand.u32 $0x1, s12  }
0x2c: {  	_ =	swait.ge [sflag:s6], $0x7D0;
	p0 =	seq.s32 s14, $0x1;
	s14 =	simm.s32 $0x7D0  }
0x2d: {  	[sflag:s6] =	ssyncset.done $0x0;
	s14 =	simm.s32 @!p0 $0x0  }
0x2e: {  	[sflag:s6] =	ssyncadd.s32 $0xFFFFF830;
	(ifvalue) =	ssetifvalue $0x7FFFFFFF;
	v0 =	vld.msk [tilespmem:s14+$0x0 ss:$0x1], $0xffff;
	_ =	sdelay $0x4  }
0x2f: {  	s15 =	sadd.s32 $0x10, s14;
	vm1 =	vgt.s32 v0, $0x0  }
0x30: {  	v2 =	vld.msk [tilespmem:s15+$0x0 ss:$0x1], $0xffff;
	v1 =	vnsel vm1, $0x0, v0  }
0x31: {  	v1 =	vmin.u32 v1, $0x1869F;
	_ =	sdelay $0x2  }
0x32: {  	s17 =	simm.s32 $0x20;
	s14 =	sadd.s32 $0xFA0, s14;
	s16 =	sadd.s32 $0x10, s15  }
0x33: {  	s15 =	sadd.s32 $0x10, s14;
	s18 =	smov.u32 s14;
	v0 =	vld.msk [tilespmem:s16+$0x0 ss:$0x1], $0xffff;
	vm1 =	vgt.s32 v2, $0x0;
	(ifvalue) =	ssetifvalue $0x7FFFFFFF  }
.LBB2_3:
0x34: {  	[tilespmem:s18], [sflag:$0x1] =	stream.indirect_vreg.gather [hbm4b:s2+s10], $0x1, v1, vm0, $0x4038;
	[tilespmem:$0x1F40] =	vst v63  }
0x35: {  	s17 =	sadd.s32 $0x10, s17  }
0x36: {  	v2 =	vnsel vm1, $0x0, v2;
	p0 =	slt.u32 s17, $0x7C0  }
.Ltmp3:
0x37: {  	s18 =	smov.u32 s15;
	v1 =	vmin.u32 v2, $0x1869F;
	(pc) =	sbr.rel @p0 .LBB2_3-.Ltmp3, $3  }
0x38: {  	_ =	sdelay $0x1  }
0x39: {  	s16 =	sadd.s32 $0x10, s16  }
0x3a: {  	vm1 =	vgt.s32 v0, $0x0;
	s15 =	sadd.s32 $0x10, s15;
	v2 =	vmov v0;
	(ifvalue) =	ssetifvalue $0x7FFFFFFF;
	v0 =	vld.msk [tilespmem:s16+$0x0 ss:$0x1], $0xffff  }
.Ltmp4:
0x3b: {  	_ = 	snop;
	(pc) =	sbr.rel .LBB2_4-.Ltmp4, $1  }
0x3c: {  	_ =	sdelay $0x3  }
.LBB2_6:
0x3d: {  	_ =	sfence.sel $0x180000  }
0x3e: {  	s2 =	simm.s32 $0x2;
	[bflag:$0x0] =	sbarrier.arrive $0xFFFF  }
0x3f: {  	s30 =	simm.s32 $0x3;
	[sflag:s2] =	ssyncpa.u1 $0x1  }
0x40: {  	s31 =	simm.s32 $0x1;
	[sflag:s30] =	ssyncpa.u1 $0x1  }
0x41: {  	[sflag:s31] =	ssyncpa.u1 $0x1  }
0x42: {  	p0 =	sne.s32 s1, $0x0;
	_ =	strace $0x90000047  }
0x43: {  	s0 =	sadd.s32 @!p0 $0x100000, s0;
	[bflag:$0x2] =	sbarrier.arrive $0xFFFF  }
0x44: {  	[sflag:s0] =	ssyncadd.tile.s32 @!p0 $0x1;
	_ =	shalt  }
.Lfunc_end2:
_tile_overlayer_lowered:
.L_overlay_start_2:
0x45: {  	(tag) =	ssettag $0x2  }
0x46: {  	s0 =	rddreg [dreg:$0x0];
	s2 =	stileid.u32  }
0x47: {  	s1 =	rddreg [dreg:$0x1];
	p0 =	sne.s32 s2, $0x0  }
0x48: {  	s3 =	rddreg [dreg:$0x2];
	[bflag:$0x3] =	sbarrier.arrive $0xFFFF;
	s2 =	simm.s32 @!p0 $0x1C01  }
0x49: {  	[timem:s3], [sflag:s2] =	dma.local @!p0 [hbm:s0], s1  }
0x4a: {  	s0 =	simm.s32 @!p0 $0x1  }
0x4b: {  	_ =	swait.ge @!p0 [sflag:s0], s1  }
0x4c: {  	s1 =	ssub.s32 @!p0 $0x0, s1;
	[sflag:s0] =	ssyncset.done @!p0 $0x0  }
0x4d: {  	[sflag:s0] =	ssyncadd.s32 @!p0 s1  }
0x4e: {  	[bflag:$0x3] =	sbarrier.arrive $0xFFFF  }
0x4f: {  	_ =	shalt  }

// kernel: gather_offload_async_start.3
scs
__scs_entry_jumppad:
0x0: {  	(pc) =	sbr.rel $0x88, $3  }
0x1: {  	(tag) =	ssettag $0x0;
	lr =	simm.s32 $0x1  }
0x2: {  	[smem:$0x3F9F] =	sst lr;
	_ =	strace $0xD0000000  }
0x3: {  	_ = 	snop  }
0x4: {  	_ = 	snop  }
0x5: {  	_ = 	snop  }
0x6: {  	_ = 	snop  }
0x7: {  	_ = 	snop  }
__scs_overlays_trampoline_lowered:
0x8: {  	[smem:$0x3FAE] =	sst s0  }
0x9: {  	[smem:$0x3FAF] =	sst s1  }
0xa: {  	[smem:$0x3FB0] =	sst s2  }
0xb: {  	[smem:$0x3FB1] =	sst s3  }
0xc: {  	[smem:$0x3FB2] =	sst s4  }
0xd: {  	[smem:$0x3FB3] =	sst s5  }
0xe: {  	[smem:$0x3FB4] =	sst s6  }
0xf: {  	[smem:$0x3FB5] =	sst s7  }
0x10: {  	[smem:$0x3FB6] =	sst s8  }
0x11: {  	[smem:$0x3FB7] =	sst s9;
	s0 =	simm.s32 @!p0 $0x0  }
0x12: {  	s1 =	sld [smem:$0x3F9D];
	s0 =	simm.s32 @p0 $0x1  }
0x13: {  	[smem:$0x3FB8] =	sst s0;
	s0 =	simm.s32 @!p1 $0x0  }
0x14: {  	s2 =	sld [smem:$0x3F9C];
	s0 =	simm.s32 @p1 $0x1  }
0x15: {  	[smem:$0x3FB9] =	sst s0;
	s0 =	simm.s32 @!p2 $0x0  }
0x16: {  	s3 =	sld [smem:$0x3FDB];
	s0 =	simm.s32 @p2 $0x1  }
0x17: {  	s4 =	simm.s32 $0x1BF5;
	[smem:$0x3FBB] =	sst s0  }
0x18: {  	s0 =	sld [smem:$0x3F9E];
	_ =	swait.ge [sflag:s4], $0x0  }
0x19: {  	s7 =	sld [smem:$0x3F9F]  }
0x1a: {  	s8 =	sadd.s32 $0xFFFFE003, lr  }
0x1b: {  	s9 =	sadd.s32 $0xFFFFFEF7, lr;
	s5 =	simm.s32 $0xFFFFFFFF;
	p2 =	slt.u32 s8, $0xFFFFF086  }
0x1c: {  	p1 =	slt.u32 s9, $0xF7A;
	s5 =	simm.s32 @!p2 $0x0  }
0x1d: {  	s5 =	simm.s32 @p1 $0x1;
	p0 =	seq.s32 s7, s2  }
0x1e: {  	s7 =	smul.u32 @!p0 $0xF7A, s2;
	p2 =	seq.s32 @!p0 s5, $0x0  }
0x1f: {  	s9 =	smul.u32 $0xF7A, s1;
	s8 =	simm.s32 @!p0 $0x1BF5;
	p2 =	por !p2, p0  }
0x20: {  	[sflag:s8] =	ssyncset.s32 @!p0 $0xFFFFF086;
	s6 =	sadd.s32 @!p0 s3, s7;
	s7 =	simm.s32 @!p0 $0x108  }
0x21: {  	s3 =	sadd.s32 s3, s9;
	s6 =	sadd.s32 @!p0 $0x88, s6;
	s7 =	simm.s32 @p2 $0x1082  }
0x22: {  	[simem:s7], [sflag:s8] =	dma.local @!p0 [hbm:s6], $0xF7A  }
0x23: {  	s9 =	sor.u32 $0xD0000000, s2;
	s6 =	simm.s32 $0x108;
	_ =	swait.ge @!p0 [sflag:s8], $0x0  }
0x24: {  	s3 =	sadd.s32 $0x88, s3;
	s6 =	simm.s32 @!p1 $0x1082;
	[sflag:s4] =	ssyncset.s32 $0xFFFFF086  }
0x25: {  	[simem:s6], [sflag:s4] =	dma.local [hbm:s3], $0xF7A  }
0x26: {  	[smem:$0x3F9F] =	sst s1;
	(tag) =	ssettag s2;
	_ =	strace s9  }
0x27: {  	s1 =	sld [smem:$0x3FAF]  }
0x28: {  	s2 =	sld [smem:$0x3FB0]  }
0x29: {  	s4 =	sld [smem:$0x3FB2]  }
0x2a: {  	p0 =	seq.s32 s5, $0x0;
	s5 =	sld [smem:$0x3FB3]  }
0x2b: {  	s6 =	sld [smem:$0x3FB4]  }
0x2c: {  	s7 =	sld [smem:$0x3FB5]  }
0x2d: {  	s3 =	simm.s32 $0x108;
	s8 =	sld [smem:$0x3FB6]  }
0x2e: {  	s3 =	simm.s32 @!p0 $0x1082;
	s9 =	sld [smem:$0x3FB7]  }
0x2f: {  	lr =	sadd.s32 s0, s3;
	s0 =	sld [smem:$0x3FAE]  }
0x30: {  	s3 =	sld [smem:$0x3FB1]  }
0x31: {  	[smem:$0x3FBA] =	sst s10  }
0x32: {  	s10 =	sld [smem:$0x3FB8];
	_ =	sdelay $0x3  }
0x33: {  	p0 =	seq.s32 s10, $0x1;
	s10 =	sld [smem:$0x3FBA];
	_ =	sdelay $0x3  }
0x34: {  	[smem:$0x3FBA] =	sst s10  }
0x35: {  	s10 =	sld [smem:$0x3FB9];
	_ =	sdelay $0x3  }
0x36: {  	p1 =	seq.s32 s10, $0x1;
	s10 =	sld [smem:$0x3FBA];
	_ =	sdelay $0x3  }
0x37: {  	[smem:$0x3FBA] =	sst s10  }
0x38: {  	s10 =	sld [smem:$0x3FBB]  }
0x39: {  	_ = 	snop;
	(pc) =	sbr.ind lr, $3  }
0x3a: {  	_ = 	snop  }
0x3b: {  	_ = 	snop  }
0x3c: {  	p2 =	seq.s32 s10, $0x1;
	s10 =	sld [smem:$0x3FBA]  }
0x3d: {  	_ =	shalt  }
0x3e: {  	_ =	shalt  }
0x3f: {  	_ =	shalt  }
0x40: {  	_ =	shalt  }
0x41: {  	_ =	shalt  }
0x42: {  	_ =	shalt  }
0x43: {  	_ =	shalt  }
0x44: {  	_ =	shalt  }
0x45: {  	_ =	shalt  }
0x46: {  	_ =	shalt  }
0x47: {  	_ =	shalt  }
0x48: {  	_ =	shalt  }
0x49: {  	_ =	shalt  }
0x4a: {  	_ =	shalt  }
0x4b: {  	_ =	shalt  }
0x4c: {  	_ =	shalt  }
0x4d: {  	_ =	shalt  }
0x4e: {  	_ =	shalt  }
0x4f: {  	_ =	shalt  }
0x50: {  	_ =	shalt  }
0x51: {  	_ =	shalt  }
0x52: {  	_ =	shalt  }
0x53: {  	_ =	shalt  }
0x54: {  	_ =	shalt  }
0x55: {  	_ =	shalt  }
0x56: {  	_ =	shalt  }
0x57: {  	_ =	shalt  }
0x58: {  	_ =	shalt  }
0x59: {  	_ =	shalt  }
0x5a: {  	_ =	shalt  }
0x5b: {  	_ =	shalt  }
0x5c: {  	_ =	shalt  }
0x5d: {  	_ =	shalt  }
0x5e: {  	_ =	shalt  }
0x5f: {  	_ =	shalt  }
0x60: {  	_ =	shalt  }
0x61: {  	_ =	shalt  }
0x62: {  	_ =	shalt  }
0x63: {  	_ =	shalt  }
0x64: {  	_ =	shalt  }
0x65: {  	_ =	shalt  }
0x66: {  	_ =	shalt  }
0x67: {  	_ =	shalt  }
0x68: {  	_ =	shalt  }
0x69: {  	_ =	shalt  }
0x6a: {  	_ =	shalt  }
0x6b: {  	_ =	shalt  }
0x6c: {  	_ =	shalt  }
0x6d: {  	_ =	shalt  }
0x6e: {  	_ =	shalt  }
0x6f: {  	_ =	shalt  }
0x70: {  	_ =	shalt  }
0x71: {  	_ =	shalt  }
0x72: {  	_ =	shalt  }
0x73: {  	_ =	shalt  }
0x74: {  	_ =	shalt  }
0x75: {  	_ =	shalt  }
0x76: {  	_ =	shalt  }
0x77: {  	_ =	shalt  }
0x78: {  	_ =	shalt  }
0x79: {  	_ =	shalt  }
0x7a: {  	_ =	shalt  }
0x7b: {  	_ =	shalt  }
0x7c: {  	_ =	shalt  }
0x7d: {  	_ =	shalt  }
0x7e: {  	_ =	shalt  }
0x7f: {  	_ =	shalt  }
0x80: {  	_ =	shalt  }
0x81: {  	_ =	shalt  }
0x82: {  	_ =	shalt  }
0x83: {  	_ =	shalt  }
0x84: {  	_ =	shalt  }
0x85: {  	_ =	shalt  }
0x86: {  	_ =	shalt  }
0x87: {  	_ =	shalt  }
.Lfunc_end0:
.L_simem_size_0:
called_computation.3_lowered:
.L_overlay_start_0:
0x88: {  	s2 =	sld [smem:$0x3FD9]  }
0x89: {  	s3 =	sld [smem:$0x3FFE];
	_ =	sdelay $0x1  }
0x8a: {  	s1 =	srdreg.scid  }
0x8b: {  	s0 =	sand.u32 $0x1, s1  }
0x8c: {  	s17 =	sshll.u32 s0, $0xA;
	s2 =	sadd.s32 s3, s2  }
0x8d: {  	s2 =	sadd.s32 s2, s17  }
0x8e: {  	[smem:$0x3FC6] =	sst s2  }
0x8f: {  	_ = 	snop  }
0x90: {  	s2 =	sld [smem:$0x3FC9];
	(tm) =	ssettm $0x1  }
0x91: {  	s18 =	sld [smem:$0x3FFB];
	_ =	sdelay $0x3  }
0x92: {  	_ =	strace s18  }
0x93: {  	s3 =	sld [smem:$0x3FFC];
	_ =	sdelay $0x3  }
0x94: {  	_ =	strace s3  }
0x95: {  	s3 =	sld [smem:$0x3FFD];
	_ =	sdelay $0x3  }
0x96: {  	_ =	strace s3  }
0x97: {  	_ =	strace $0x8FFFFFFF  }
0x98: {  	s19 =	sld [smem:$0x3FDB];
	_ =	sdelay $0x1  }
0x99: {  	s4 =	simm.s32 $_scs_section_size  }
0x9a: {  	s5 =	simm.s32 $_size__tile_overlayer_lowered;
	s6 =	simm.s32 $_tile_overlayer_lowered  }
0x9b: {  	s22 =	simm.s32 $0x1BFF;
	s21 =	sshll.u32 s6, $0x1;
	s3 =	sadd.s32 s4, s19  }
0x9c: {  	s7 =	simm.s32 $0x0;
	s20 =	sshll.u32 s5, $0x1;
	s5 =	sadd.s32 s21, s3  }
0x9d: {  	[timem:s7], [sflag:s22] =	dma.local [hbm:s5], s20  }
0x9e: {  	_ =	swait.ge [sflag:s22], s20  }
0x9f: {  	s4 =	ssub.s32 $0x0, s20;
	[sflag:s22] =	ssyncset.done $0x0  }
0xa0: {  	[sflag:s22] =	ssyncadd.s32 s4;
	_ =	sdelay $0x1  }
0xa1: {  	s23 =	simm.s32 $0x1B8B  }
0xa2: {  	_ =	swait.ge [sflag:s23], $0x1  }
0xa3: {  	[sflag:s23] =	ssyncset.done $0x0  }
0xa4: {  	s25 =	simm.s32 $0x1B8E;
	s24 =	sld [smem:$0x3FFE];
	[sflag:s23] =	ssyncadd.s32 $0xFFFFFFFF  }
0xa5: {  	s26 =	simm.s32 $execute0_lowered;
	[smem:$0x3FD2] =	sst s25  }
0xa6: {  	s5 =	sshll.u32 s26, $0x1;
	_ =	strace $0x80000049;
	[dreg:$0x1] =	wrdreg $0xFFFFFFFF  }
0xa7: {  	s28 =	simm.s32 $_size_execute0_lowered;
	s3 =	sadd.s32 s3, s5;
	[dreg:$0x0] =	wrdreg $0x0  }
0xa8: {  	s5 =	sshll.u32 s28, $0x1;
	[dreg:$0x2] =	wrdreg s3  }
0xa9: {  	[dreg:$0x3] =	wrdreg s5  }
0xaa: {  	[dreg:$0x4] =	wrdreg $0xC0  }
0xab: {  	_ =	task [dreg:s7], $0x5FFFF  }
0xac: {  	[dreg:$0x1] =	wrdreg $0xFFFFFFFF  }
0xad: {  	[dreg:$0x0] =	wrdreg $0x60  }
0xae: {  	[dreg:$0x2] =	wrdreg s2  }
0xaf: {  	[dreg:$0x3] =	wrdreg s24  }
0xb0: {  	[dreg:$0x4] =	wrdreg $0x9  }
0xb1: {  	_ =	task.clear_ibuf [dreg:s7], $0x5FFFF;
	_ =	strace $0x90000049  }
0xb2: {  	s29 =	simm.s32 $0x9;
	_ =	strace $0x8000004B  }
0xb3: {  	_ =	swait.ge [sflag:s29], $0x1  }
0xb4: {  	[sflag:s29] =	ssyncadd.s32 $0xFFFFFFFF  }
0xb5: {  	_ =	strace $0x9000004B  }
0xb6: {  	_ =	sfence  }
0xb7: {  	s30 =	sld [smem:$0x0];
	_ =	sdelay $0x2  }
0xb8: {  	s31 =	sshll.u32 s1, $0xD;
	s1 =	sshrl.u32 s1, $0x2  }
0xb9: {  	s3 =	sand.u32 $0x4000, s31;
	s1 =	sadd.s32 s1, s30  }
0xba: {  	s0 =	sor.u32 s3, s0;
	s1 =	sshll.u32 s1, $0x11  }
0xbb: {  	s0 =	sor.u32 s1, s0  }
0xbc: {  	s0 =	sadd.s32 $0x8F2B, s0  }
0xbd: {  	[sflag:s0] =	ssyncadd.remote.s32 $0x1  }
0xbe: {  	_ =	sfence.sel $0xFFFF  }
0xbf: {  	[dreg:$0x0] =	wrdreg $0xFFFFFFFF;
	(pc) =	sbr.abs _section_cstart, $3  }
0xc0: {  	[dreg:$0x1] =	wrdreg $0xFFFFFFFF  }
0xc1: {  	_ =	task.clear_ibuf [dreg:s7], $0x2FFFF;
	_ =	strace $0x9FFFFFFF  }
0xc2: {  	(tm) =	ssettm $0x7FFFFFFF  }
0xc3: {  	_ =	shalt  }
tec
execute0_lowered:
.L_overlay_start_1:
0x0: {  	(tag) =	ssettag $0x1  }
0x1: {  	s2 =	rddreg [dreg:$0x0]  }
0x2: {  	s8 =	rddreg [dreg:$0x1]  }
0x3: {  	s0 =	rddreg [dreg:$0x2];
	s1 =	stileid.u32  }
0x4: {  	s3 =	srdreg.scid;
	_ =	strace $0x8000004A;
	s4 =	simm.s32 $0x1  }
0x5: {  	s7 =	simm.s32 $0x1;
	s9 =	simm.s32 $0x1;
	s10 =	simm.s32 $0x3  }
0x6: {  	s13 =	simm.s32 $0x0;
	s5 =	sand.u32 $0x1, s3;
	s6 =	sshll.u32 s1, $0x1  }
0x7: {  	s12 =	simm.s32 $0x0;
	s3 =	sadd.s32 $0x57800, s8;
	s5 =	sor.u32 s6, s5  }
.Ltmp0:
0x8: {  	[sflag:s4] =	ssyncpa.u1 $0x0;
	p0 =	slt.u32 s5, $0x13;
	(pc) =	sbr.rel .LBB2_1-.Ltmp0, $4  }
0x9: {  	s6 =	simm.s32 $0x2;
	s7 =	simm.s32 @!p0 $0x0;
	p0 =	sne.s32 s5, $0x12  }
0xa: {  	[sflag:s6] =	ssyncpa.u1 $0x0;
	s5 =	smul.u32 $0x7D0, s5;
	s9 =	simm.s32 @!p0 $0x0  }
0xb: {  	s8 =	sadd.s32 $0x54600, s8;
	[sflag:s10] =	ssyncpa.u1 $0x0;
	s7 =	sadd.s32 s9, s7  }
0xc: {  	vm0 =	vmmov $0xffff;
	s10 =	simm.s32 $0x0;
	s11 =	smov.u32 s5;
	s9 =	sadd.s32 $0x1, s7  }
.LBB2_4:
0xd: {  	vm2 =	veq.s32 v2, $0x80000000;
	v4 =	vand.u32 $0x3, v4;
	v5 =	vor.u32 v6, v5  }
0xe: {  	v1 =	vand.u32 $0x1FFFF, v1;
	v7 =	vshrl.u32 v2, $0x11;
	v56 =	vand.u32 $0x1FFFF, v2  }
0xf: {  	v4 =	vsel vm1, $0xFFFFFFFF, v4;
	v3 =	vor.u32 v3, v5;
	v1 =	vsel vm1, $0xFFFFFFFF, v1  }
0x10: {  	vm1 =	vmmov vm2;
	v7 =	vand.u32 $0x3, v7;
	v54 =	vshrl.u32 v4, $0x2  }
0x11: {  	v4 =	vshll.u32 v4, $0x7;
	v55 =	vshll.u32 v1, $0x2;
	v57 =	vsel vm1, $0xFFFFFFFF, v7  }
0x12: {  	v2 =	vsel vm1, $0xFFFFFFFF, v56;
	v1 =	vand.u32 $0x7F, v1;
	v5 =	vmul.u32 $0x61C00, v54  }
0x13: {  	v6 =	vand.u32 $0xFFFFFE00, v55;
	v4 =	vand.u32 $0x180, v4;
	v7 =	vshrl.u32 v57, $0x2  }
0x14: {  	v59 =	vshll.u32 v2, $0x2;
	v58 =	vmul.u32 $0x61C00, v7;
	v5 =	vadd.s32 v6, v5  }
0x15: {  	v7 =	vand.u32 $0xFFFFFE00, v59;
	v6 =	vshll.u32 v57, $0x7;
	v4 =	vor.u32 v4, v5  }
0x16: {  	v60 =	vadd.s32 v7, v58;
	v61 =	vand.u32 $0x180, v6;
	v1 =	vor.u32 v1, v4  }
0x17: {  	[tilespmem:s16], [sflag:$0x1] =	stream.indirect_vreg.gather [hbm4b:s2+s10], $0x1, v0, vm0, $0x4038;
	v62 =	vand.u32 $0x7F, v2;
	v63 =	vor.u32 v61, v60;
	[tilespmem:$0x1F40] =	vst v63  }
0x18: {  	(ifvalue) =	ssetifvalue $0x7FFFFFFF;
	v0 =	vor.u32 v62, v63  }
0x19: {  	[tilespmem:s15], [sflag:$0x1] =	stream.indirect_vreg.gather [hbm4b:s2+s10], $0x1, v3, vm0, $0x4038;
	[tilespmem:$0x1F40] =	vst v63  }
0x1a: {  	s29 =	sadd.s32 $0x10, s15;
	(ifvalue) =	ssetifvalue $0x7FFFFFFF  }
0x1b: {  	[tilespmem:s29], [sflag:$0x1] =	stream.indirect_vreg.gather [hbm4b:s2+s10], $0x1, v1, vm0, $0x4038;
	[tilespmem:$0x1F40] =	vst v63  }
0x1c: {  	s15 =	sadd.s32 $0x10, s29;
	(ifvalue) =	ssetifvalue $0x7FFFFFFF  }
0x1d: {  	[tilespmem:s15], [sflag:$0x1] =	stream.indirect_vreg.gather [hbm4b:s2+s10], $0x1, v0, vm0, $0x4038;
	[tilespmem:$0x1F40] =	vst v63  }
0x1e: {  	_ =	swait.ge [sflag:s4], $0x7D0  }
0x1f: {  	s30 =	sshrl.u32 s13, $0x3;
	[sflag:s4] =	ssyncset.done $0x0  }
0x20: {  	s31 =	sand.u32 $0x7, s13;
	s15 =	sadd.s32 s8, s30;
	[sflag:s4] =	ssyncadd.s32 $0xFFFFF830  }
0x21: {  	[hbm4b:s15+s31] =	stream.linear.scatter [tilespmem:s14], [sflag:$0x3], $0x7D0, $0x38;
	[tilespmem:$0x1F40] =	vst v63  }
.LBB2_5:
0x22: {  	s15 =	sadd.s32 $0xFA00, s11  }
0x23: {  	p1 =	sgt.s32 s15, $0x1869F  }
0x24: {  	s15 =	smov.u32 @p1 s5;
	p1 =	sne.s32 s12, s9  }
.Ltmp1:
0x25: {  	p0 =	slt.u32 s12, $0x2;
	(pc) =	sbr.rel @!p1 .LBB2_6-.Ltmp1, $4  }
0x26: {  	s14 =	simm.s32 @!p0 $0x3  }
0x27: {  	_ =	swait.ge @!p0 [sflag:s14], $0x7D0  }
0x28: {  	s16 =	sadd.s32 $0x1, s12;
	s13 =	smov.u32 s11;
	[sflag:s14] =	ssyncset.done @!p0 $0x0  }
0x29: {  	s12 =	smov.u32 s16;
	s11 =	smov.u32 s15;
	[sflag:s14] =	ssyncadd.s32 @!p0 $0xFFFFF830  }
.LBB2_1:
0x2a: {  	p0 =	sge.u32 s12, s7  }
0x2b: {  	s14 =	sxor.u32 @!p0 $0x1, s12  }
0x2c: {  	s14 =	smul.u32 @!p0 $0x1F40, s14  }
0x2d: {  	s31 =	sadd.s32 $0xFFFFFFFF, s12;
	s15 =	sshrl.u32 @!p0 s11, $0x3  }
0x2e: {  	s16 =	sand.u32 @!p0 $0x7, s11;
	s15 =	sadd.s32 @!p0 s3, s15;
	s14 =	sshra.s32 @!p0 s14, $0x2  }
0x2f: {  	[tilespmem:s14], [sflag:$0x2] =	stream.linear.gather @!p0 [hbm4b:s15+s16], $0x7D0, $0x38;
	[tilespmem:$0x1F40] =	vst v63  }
0x30: {  	p0 =	sge.u32 s31, s7  }
.Ltmp2:
0x31: {  	_ = 	snop;
	(pc) =	sbr.rel @p0 .LBB2_5-.Ltmp2, $1  }
0x32: {  	_ =	sdelay $0x3  }
0x33: {  	s14 =	sand.u32 $0x1, s12  }
0x34: {  	_ =	swait.ge [sflag:s6], $0x7D0;
	p0 =	seq.s32 s14, $0x1;
	s14 =	simm.s32 $0x7D0  }
0x35: {  	[sflag:s6] =	ssyncset.done $0x0;
	s14 =	simm.s32 @!p0 $0x0  }
0x36: {  	[sflag:s6] =	ssyncadd.s32 $0xFFFFF830;
	(ifvalue) =	ssetifvalue $0x7FFFFFFF;
	v0 =	vld.msk [tilespmem:s14+$0x0 ss:$0x1], $0xffff;
	_ =	sdelay $0x2  }
0x37: {  	s15 =	sadd.s32 $0x10, s14  }
0x38: {  	v2 =	vld.msk [tilespmem:s15+$0x0 ss:$0x1], $0xffff  }
0x39: {  	vm1 =	veq.s32 v0, $0x80000000;
	v1 =	vshrl.u32 v0, $0x11  }
0x3a: {  	vm1 =	vmmov vm1;
	v3 =	vand.u32 $0x3, v1  }
0x3b: {  	v0 =	vand.u32 $0x1FFFF, v0;
	v3 =	vsel vm1, $0xFFFFFFFF, v3  }
0x3c: {  	s15 =	sadd.s32 $0x10, s15;
	v0 =	vsel vm1, $0xFFFFFFFF, v0;
	v4 =	vshrl.u32 v3, $0x2  }
0x3d: {  	v1 =	vld.msk [tilespmem:s15+$0x0 ss:$0x1], $0xffff;
	v6 =	vshrl.u32 v2, $0x11;
	v5 =	vshll.u32 v0, $0x2;
	v4 =	vmul.u32 $0x61C00, v4  }
0x3e: {  	vm1 =	veq.s32 v2, $0x80000000;
	v3 =	vshll.u32 v3, $0x7;
	v5 =	vand.u32 $0xFFFFFE00, v5  }
0x3f: {  	v0 =	vand.u32 $0x7F, v0;
	v3 =	vand.u32 $0x180, v3;
	v4 =	vadd.s32 v5, v4  }
0x40: {  	vm1 =	vmmov vm1;
	v5 =	vand.u32 $0x3, v6;
	v3 =	vor.u32 v3, v4  }
0x41: {  	v2 =	vand.u32 $0x1FFFF, v2;
	v4 =	vsel vm1, $0xFFFFFFFF, v5;
	v0 =	vor.u32 v0, v3  }
0x42: {  	s15 =	sadd.s32 $0x10, s15;
	vm2 =	veq.s32 v1, $0x80000000;
	v3 =	vsel vm1, $0xFFFFFFFF, v2;
	v2 =	vshrl.u32 v4, $0x2  }
0x43: {  	s14 =	sadd.s32 $0xFA0, s14;
	v6 =	vshll.u32 v4, $0x7;
	v5 =	vmul.u32 $0x61C00, v2;
	v4 =	vshll.u32 v3, $0x2;
	v2 =	vld.msk [tilespmem:s15+$0x0 ss:$0x1], $0xffff  }
0x44: {  	s17 =	simm.s32 $0x30;
	s16 =	smov.u32 s14;
	vm1 =	vmmov vm2;
	v3 =	vand.u32 $0x7F, v3;
	v7 =	vand.u32 $0xFFFFFE00, v4  }
0x45: {  	s18 =	sadd.s32 $0x10, s15;
	v6 =	vand.u32 $0x180, v6;
	(ifvalue) =	ssetifvalue $0x7FFFFFFF;
	s15 =	sadd.s32 $0x10, s14;
	v4 =	vshrl.u32 v1, $0x11;
	v5 =	vadd.s32 v7, v5  }
.LBB2_3:
0x46: {  	[tilespmem:s16], [sflag:$0x1] =	stream.indirect_vreg.gather [hbm4b:s2+s10], $0x1, v0, vm0, $0x4038;
	[tilespmem:$0x1F40] =	vst v63  }
0x47: {  	s17 =	sadd.s32 $0x10, s17  }
0x48: {  	vm2 =	veq.s32 v2, $0x80000000;
	v4 =	vand.u32 $0x3, v4;
	v5 =	vor.u32 v6, v5;
	v6 =	vmovc v2;
	v2 =	vld.msk [tilespmem:s18+$0x0 ss:$0x1], $0xffff;
	p0 =	slt.u32 s17, $0x7C0  }
.Ltmp3:
0x49: {  	v7 =	vand.u32 $0x1FFFF, v1;
	s16 =	smov.u32 s15;
	v4 =	vsel vm1, $0xFFFFFFFF, v4;
	v0 =	vor.u32 v3, v5;
	v1 =	vmovc v6;
	(pc) =	sbr.rel @p0 .LBB2_3-.Ltmp3, $4  }
0x4a: {  	v5 =	vsel vm1, $0xFFFFFFFF, v7;
	v6 =	vshrl.u32 v4, $0x2;
	v7 =	vshll.u32 v4, $0x7  }
0x4b: {  	v3 =	vand.u32 $0x7F, v5;
	v4 =	vshll.u32 v5, $0x2;
	v6 =	vmul.u32 $0x61C00, v6  }
0x4c: {  	vm1 =	vmmov vm2;
	v5 =	vand.u32 $0xFFFFFE00, v4  }
0x4d: {  	s18 =	sadd.s32 $0x10, s18;
	s15 =	sadd.s32 $0x10, s15;
	v4 =	vshrl.u32 v1, $0x11;
	v5 =	vadd.s32 v5, v6;
	v6 =	vand.u32 $0x180, v7;
	(ifvalue) =	ssetifvalue $0x7FFFFFFF  }
.Ltmp4:
0x4e: {  	_ = 	snop;
	(pc) =	sbr.rel .LBB2_4-.Ltmp4, $1  }
0x4f: {  	_ =	sdelay $0x3  }
.LBB2_6:
0x50: {  	_ =	sfence.sel $0x180000  }
0x51: {  	s2 =	simm.s32 $0x2;
	[bflag:$0x0] =	sbarrier.arrive $0xFFFF  }
0x52: {  	s30 =	simm.s32 $0x3;
	[sflag:s2] =	ssyncpa.u1 $0x1  }
0x53: {  	s31 =	simm.s32 $0x1;
	[sflag:s30] =	ssyncpa.u1 $0x1  }
0x54: {  	[sflag:s31] =	ssyncpa.u1 $0x1  }
0x55: {  	p0 =	sne.s32 s1, $0x0;
	_ =	strace $0x9000004A  }
0x56: {  	s0 =	sadd.s32 @!p0 $0x100000, s0;
	[bflag:$0x2] =	sbarrier.arrive $0xFFFF  }
0x57: {  	[sflag:s0] =	ssyncadd.tile.s32 @!p0 $0x1;
	_ =	shalt  }
.Lfunc_end2:
_tile_overlayer_lowered:
.L_overlay_start_2:
0x58: {  	(tag) =	ssettag $0x2  }
0x59: {  	s0 =	rddreg [dreg:$0x0];
	s2 =	stileid.u32  }
0x5a: {  	s1 =	rddreg [dreg:$0x1];
	p0 =	sne.s32 s2, $0x0  }
0x5b: {  	s3 =	rddreg [dreg:$0x2];
	[bflag:$0x3] =	sbarrier.arrive $0xFFFF;
	s2 =	simm.s32 @!p0 $0x1C01  }
0x5c: {  	[timem:s3], [sflag:s2] =	dma.local @!p0 [hbm:s0], s1  }
0x5d: {  	s0 =	simm.s32 @!p0 $0x1  }
0x5e: {  	_ =	swait.ge @!p0 [sflag:s0], s1  }
0x5f: {  	s1 =	ssub.s32 @!p0 $0x0, s1;
	[sflag:s0] =	ssyncset.done @!p0 $0x0  }
0x60: {  	[sflag:s0] =	ssyncadd.s32 @!p0 s1  }
0x61: {  	[bflag:$0x3] =	sbarrier.arrive $0xFFFF  }
0x62: {  	_ =	shalt  }

// kernel: gather_offload_async_start.4
scs
__scs_entry_jumppad:
0x0: {  	(pc) =	sbr.rel $0x88, $3  }
0x1: {  	(tag) =	ssettag $0x0;
	lr =	simm.s32 $0x1  }
0x2: {  	[smem:$0x3F9F] =	sst lr;
	_ =	strace $0xD0000000  }
0x3: {  	_ = 	snop  }
0x4: {  	_ = 	snop  }
0x5: {  	_ = 	snop  }
0x6: {  	_ = 	snop  }
0x7: {  	_ = 	snop  }
__scs_overlays_trampoline_lowered:
0x8: {  	[smem:$0x3FAE] =	sst s0  }
0x9: {  	[smem:$0x3FAF] =	sst s1  }
0xa: {  	[smem:$0x3FB0] =	sst s2  }
0xb: {  	[smem:$0x3FB1] =	sst s3  }
0xc: {  	[smem:$0x3FB2] =	sst s4  }
0xd: {  	[smem:$0x3FB3] =	sst s5  }
0xe: {  	[smem:$0x3FB4] =	sst s6  }
0xf: {  	[smem:$0x3FB5] =	sst s7  }
0x10: {  	[smem:$0x3FB6] =	sst s8  }
0x11: {  	[smem:$0x3FB7] =	sst s9;
	s0 =	simm.s32 @!p0 $0x0  }
0x12: {  	s1 =	sld [smem:$0x3F9D];
	s0 =	simm.s32 @p0 $0x1  }
0x13: {  	[smem:$0x3FB8] =	sst s0;
	s0 =	simm.s32 @!p1 $0x0  }
0x14: {  	s2 =	sld [smem:$0x3F9C];
	s0 =	simm.s32 @p1 $0x1  }
0x15: {  	[smem:$0x3FB9] =	sst s0;
	s0 =	simm.s32 @!p2 $0x0  }
0x16: {  	s3 =	sld [smem:$0x3FDB];
	s0 =	simm.s32 @p2 $0x1  }
0x17: {  	s4 =	simm.s32 $0x1BF5;
	[smem:$0x3FBB] =	sst s0  }
0x18: {  	s0 =	sld [smem:$0x3F9E];
	_ =	swait.ge [sflag:s4], $0x0  }
0x19: {  	s7 =	sld [smem:$0x3F9F]  }
0x1a: {  	s8 =	sadd.s32 $0xFFFFE003, lr  }
0x1b: {  	s9 =	sadd.s32 $0xFFFFFEF7, lr;
	s5 =	simm.s32 $0xFFFFFFFF;
	p2 =	slt.u32 s8, $0xFFFFF086  }
0x1c: {  	p1 =	slt.u32 s9, $0xF7A;
	s5 =	simm.s32 @!p2 $0x0  }
0x1d: {  	s5 =	simm.s32 @p1 $0x1;
	p0 =	seq.s32 s7, s2  }
0x1e: {  	s7 =	smul.u32 @!p0 $0xF7A, s2;
	p2 =	seq.s32 @!p0 s5, $0x0  }
0x1f: {  	s9 =	smul.u32 $0xF7A, s1;
	s8 =	simm.s32 @!p0 $0x1BF5;
	p2 =	por !p2, p0  }
0x20: {  	[sflag:s8] =	ssyncset.s32 @!p0 $0xFFFFF086;
	s6 =	sadd.s32 @!p0 s3, s7;
	s7 =	simm.s32 @!p0 $0x108  }
0x21: {  	s3 =	sadd.s32 s3, s9;
	s6 =	sadd.s32 @!p0 $0x88, s6;
	s7 =	simm.s32 @p2 $0x1082  }
0x22: {  	[simem:s7], [sflag:s8] =	dma.local @!p0 [hbm:s6], $0xF7A  }
0x23: {  	s9 =	sor.u32 $0xD0000000, s2;
	s6 =	simm.s32 $0x108;
	_ =	swait.ge @!p0 [sflag:s8], $0x0  }
0x24: {  	s3 =	sadd.s32 $0x88, s3;
	s6 =	simm.s32 @!p1 $0x1082;
	[sflag:s4] =	ssyncset.s32 $0xFFFFF086  }
0x25: {  	[simem:s6], [sflag:s4] =	dma.local [hbm:s3], $0xF7A  }
0x26: {  	[smem:$0x3F9F] =	sst s1;
	(tag) =	ssettag s2;
	_ =	strace s9  }
0x27: {  	s1 =	sld [smem:$0x3FAF]  }
0x28: {  	s2 =	sld [smem:$0x3FB0]  }
0x29: {  	s4 =	sld [smem:$0x3FB2]  }
0x2a: {  	p0 =	seq.s32 s5, $0x0;
	s5 =	sld [smem:$0x3FB3]  }
0x2b: {  	s6 =	sld [smem:$0x3FB4]  }
0x2c: {  	s7 =	sld [smem:$0x3FB5]  }
0x2d: {  	s3 =	simm.s32 $0x108;
	s8 =	sld [smem:$0x3FB6]  }
0x2e: {  	s3 =	simm.s32 @!p0 $0x1082;
	s9 =	sld [smem:$0x3FB7]  }
0x2f: {  	lr =	sadd.s32 s0, s3;
	s0 =	sld [smem:$0x3FAE]  }
0x30: {  	s3 =	sld [smem:$0x3FB1]  }
0x31: {  	[smem:$0x3FBA] =	sst s10  }
0x32: {  	s10 =	sld [smem:$0x3FB8];
	_ =	sdelay $0x3  }
0x33: {  	p0 =	seq.s32 s10, $0x1;
	s10 =	sld [smem:$0x3FBA];
	_ =	sdelay $0x3  }
0x34: {  	[smem:$0x3FBA] =	sst s10  }
0x35: {  	s10 =	sld [smem:$0x3FB9];
	_ =	sdelay $0x3  }
0x36: {  	p1 =	seq.s32 s10, $0x1;
	s10 =	sld [smem:$0x3FBA];
	_ =	sdelay $0x3  }
0x37: {  	[smem:$0x3FBA] =	sst s10  }
0x38: {  	s10 =	sld [smem:$0x3FBB]  }
0x39: {  	_ = 	snop;
	(pc) =	sbr.ind lr, $3  }
0x3a: {  	_ = 	snop  }
0x3b: {  	_ = 	snop  }
0x3c: {  	p2 =	seq.s32 s10, $0x1;
	s10 =	sld [smem:$0x3FBA]  }
0x3d: {  	_ =	shalt  }
0x3e: {  	_ =	shalt  }
0x3f: {  	_ =	shalt  }
0x40: {  	_ =	shalt  }
0x41: {  	_ =	shalt  }
0x42: {  	_ =	shalt  }
0x43: {  	_ =	shalt  }
0x44: {  	_ =	shalt  }
0x45: {  	_ =	shalt  }
0x46: {  	_ =	shalt  }
0x47: {  	_ =	shalt  }
0x48: {  	_ =	shalt  }
0x49: {  	_ =	shalt  }
0x4a: {  	_ =	shalt  }
0x4b: {  	_ =	shalt  }
0x4c: {  	_ =	shalt  }
0x4d: {  	_ =	shalt  }
0x4e: {  	_ =	shalt  }
0x4f: {  	_ =	shalt  }
0x50: {  	_ =	shalt  }
0x51: {  	_ =	shalt  }
0x52: {  	_ =	shalt  }
0x53: {  	_ =	shalt  }
0x54: {  	_ =	shalt  }
0x55: {  	_ =	shalt  }
0x56: {  	_ =	shalt  }
0x57: {  	_ =	shalt  }
0x58: {  	_ =	shalt  }
0x59: {  	_ =	shalt  }
0x5a: {  	_ =	shalt  }
0x5b: {  	_ =	shalt  }
0x5c: {  	_ =	shalt  }
0x5d: {  	_ =	shalt  }
0x5e: {  	_ =	shalt  }
0x5f: {  	_ =	shalt  }
0x60: {  	_ =	shalt  }
0x61: {  	_ =	shalt  }
0x62: {  	_ =	shalt  }
0x63: {  	_ =	shalt  }
0x64: {  	_ =	shalt  }
0x65: {  	_ =	shalt  }
0x66: {  	_ =	shalt  }
0x67: {  	_ =	shalt  }
0x68: {  	_ =	shalt  }
0x69: {  	_ =	shalt  }
0x6a: {  	_ =	shalt  }
0x6b: {  	_ =	shalt  }
0x6c: {  	_ =	shalt  }
0x6d: {  	_ =	shalt  }
0x6e: {  	_ =	shalt  }
0x6f: {  	_ =	shalt  }
0x70: {  	_ =	shalt  }
0x71: {  	_ =	shalt  }
0x72: {  	_ =	shalt  }
0x73: {  	_ =	shalt  }
0x74: {  	_ =	shalt  }
0x75: {  	_ =	shalt  }
0x76: {  	_ =	shalt  }
0x77: {  	_ =	shalt  }
0x78: {  	_ =	shalt  }
0x79: {  	_ =	shalt  }
0x7a: {  	_ =	shalt  }
0x7b: {  	_ =	shalt  }
0x7c: {  	_ =	shalt  }
0x7d: {  	_ =	shalt  }
0x7e: {  	_ =	shalt  }
0x7f: {  	_ =	shalt  }
0x80: {  	_ =	shalt  }
0x81: {  	_ =	shalt  }
0x82: {  	_ =	shalt  }
0x83: {  	_ =	shalt  }
0x84: {  	_ =	shalt  }
0x85: {  	_ =	shalt  }
0x86: {  	_ =	shalt  }
0x87: {  	_ =	shalt  }
.Lfunc_end0:
.L_simem_size_0:
called_computation.4_lowered:
.L_overlay_start_0:
0x88: {  	s2 =	sld [smem:$0x3FD9]  }
0x89: {  	s3 =	sld [smem:$0x3FFE];
	_ =	sdelay $0x1  }
0x8a: {  	s1 =	srdreg.scid  }
0x8b: {  	s0 =	sand.u32 $0x1, s1  }
0x8c: {  	s17 =	sshll.u32 s0, $0xA;
	s2 =	sadd.s32 s3, s2  }
0x8d: {  	s2 =	sadd.s32 s2, s17  }
0x8e: {  	[smem:$0x3FC6] =	sst s2  }
0x8f: {  	_ = 	snop  }
0x90: {  	s2 =	sld [smem:$0x3FC9];
	(tm) =	ssettm $0x1  }
0x91: {  	s18 =	sld [smem:$0x3FFB];
	_ =	sdelay $0x3  }
0x92: {  	_ =	strace s18  }
0x93: {  	s3 =	sld [smem:$0x3FFC];
	_ =	sdelay $0x3  }
0x94: {  	_ =	strace s3  }
0x95: {  	s3 =	sld [smem:$0x3FFD];
	_ =	sdelay $0x3  }
0x96: {  	_ =	strace s3  }
0x97: {  	_ =	strace $0x8FFFFFFF  }
0x98: {  	s19 =	sld [smem:$0x3FDB];
	_ =	sdelay $0x1  }
0x99: {  	s4 =	simm.s32 $_scs_section_size  }
0x9a: {  	s5 =	simm.s32 $_size__tile_overlayer_lowered;
	s6 =	simm.s32 $_tile_overlayer_lowered  }
0x9b: {  	s22 =	simm.s32 $0x1BFF;
	s21 =	sshll.u32 s6, $0x1;
	s3 =	sadd.s32 s4, s19  }
0x9c: {  	s7 =	simm.s32 $0x0;
	s20 =	sshll.u32 s5, $0x1;
	s5 =	sadd.s32 s21, s3  }
0x9d: {  	[timem:s7], [sflag:s22] =	dma.local [hbm:s5], s20  }
0x9e: {  	_ =	swait.ge [sflag:s22], s20  }
0x9f: {  	s4 =	ssub.s32 $0x0, s20;
	[sflag:s22] =	ssyncset.done $0x0  }
0xa0: {  	[sflag:s22] =	ssyncadd.s32 s4;
	_ =	sdelay $0x1  }
0xa1: {  	s23 =	simm.s32 $0x1B8B  }
0xa2: {  	_ =	swait.ge [sflag:s23], $0x1  }
0xa3: {  	[sflag:s23] =	ssyncset.done $0x0  }
0xa4: {  	s25 =	simm.s32 $0x1B8E;
	s24 =	sld [smem:$0x3FFE];
	[sflag:s23] =	ssyncadd.s32 $0xFFFFFFFF  }
0xa5: {  	s26 =	simm.s32 $execute0_lowered;
	[smem:$0x3FD2] =	sst s25  }
0xa6: {  	s5 =	sshll.u32 s26, $0x1;
	_ =	strace $0x8000004C;
	[dreg:$0x1] =	wrdreg $0xFFFFFFFF  }
0xa7: {  	s28 =	simm.s32 $_size_execute0_lowered;
	s3 =	sadd.s32 s3, s5;
	[dreg:$0x0] =	wrdreg $0x0  }
0xa8: {  	s5 =	sshll.u32 s28, $0x1;
	[dreg:$0x2] =	wrdreg s3  }
0xa9: {  	[dreg:$0x3] =	wrdreg s5  }
0xaa: {  	[dreg:$0x4] =	wrdreg $0xC0  }
0xab: {  	_ =	task [dreg:s7], $0x5FFFF  }
0xac: {  	[dreg:$0x1] =	wrdreg $0xFFFFFFFF  }
0xad: {  	[dreg:$0x0] =	wrdreg $0x60  }
0xae: {  	[dreg:$0x2] =	wrdreg s2  }
0xaf: {  	[dreg:$0x3] =	wrdreg s24  }
0xb0: {  	[dreg:$0x4] =	wrdreg $0x9  }
0xb1: {  	_ =	task.clear_ibuf [dreg:s7], $0x5FFFF;
	_ =	strace $0x9000004C  }
0xb2: {  	s29 =	simm.s32 $0x9;
	_ =	strace $0x8000004E  }
0xb3: {  	_ =	swait.ge [sflag:s29], $0x1  }
0xb4: {  	[sflag:s29] =	ssyncadd.s32 $0xFFFFFFFF  }
0xb5: {  	_ =	strace $0x9000004E  }
0xb6: {  	_ =	sfence  }
0xb7: {  	s30 =	sld [smem:$0x0];
	_ =	sdelay $0x2  }
0xb8: {  	s31 =	sshll.u32 s1, $0xD;
	s1 =	sshrl.u32 s1, $0x2  }
0xb9: {  	s3 =	sand.u32 $0x4000, s31;
	s1 =	sadd.s32 s1, s30  }
0xba: {  	s0 =	sor.u32 s3, s0;
	s1 =	sshll.u32 s1, $0x11  }
0xbb: {  	s0 =	sor.u32 s1, s0  }
0xbc: {  	s0 =	sadd.s32 $0x8F2B, s0  }
0xbd: {  	[sflag:s0] =	ssyncadd.remote.s32 $0x1  }
0xbe: {  	_ =	sfence.sel $0xFFFF  }
0xbf: {  	[dreg:$0x0] =	wrdreg $0xFFFFFFFF;
	(pc) =	sbr.abs _section_cstart, $3  }
0xc0: {  	[dreg:$0x1] =	wrdreg $0xFFFFFFFF  }
0xc1: {  	_ =	task.clear_ibuf [dreg:s7], $0x2FFFF;
	_ =	strace $0x9FFFFFFF  }
0xc2: {  	(tm) =	ssettm $0x7FFFFFFF  }
0xc3: {  	_ =	shalt  }
tec
execute0_lowered:
.L_overlay_start_1:
0x0: {  	(tag) =	ssettag $0x1  }
0x1: {  	s2 =	rddreg [dreg:$0x0]  }
0x2: {  	s8 =	rddreg [dreg:$0x1]  }
0x3: {  	s0 =	rddreg [dreg:$0x2];
	s1 =	stileid.u32  }
0x4: {  	s3 =	srdreg.scid;
	_ =	strace $0x8000004D;
	s4 =	simm.s32 $0x1  }
0x5: {  	s7 =	simm.s32 $0x1;
	s9 =	simm.s32 $0x1;
	s10 =	simm.s32 $0x3  }
0x6: {  	s13 =	simm.s32 $0x0;
	s5 =	sand.u32 $0x1, s3;
	s6 =	sshll.u32 s1, $0x1  }
0x7: {  	s12 =	simm.s32 $0x0;
	s3 =	sadd.s32 $0x5AA00, s8;
	s5 =	sor.u32 s6, s5  }
.Ltmp0:
0x8: {  	[sflag:s4] =	ssyncpa.u1 $0x0;
	p0 =	slt.u32 s5, $0x13;
	(pc) =	sbr.rel .LBB2_1-.Ltmp0, $4  }
0x9: {  	s6 =	simm.s32 $0x2;
	s7 =	simm.s32 @!p0 $0x0;
	p0 =	sne.s32 s5, $0x12  }
0xa: {  	[sflag:s6] =	ssyncpa.u1 $0x0;
	s5 =	smul.u32 $0x7D0, s5;
	s9 =	simm.s32 @!p0 $0x0  }
0xb: {  	s8 =	sadd.s32 $0x60E00, s8;
	[sflag:s10] =	ssyncpa.u1 $0x0;
	s7 =	sadd.s32 s9, s7  }
0xc: {  	vm0 =	vmmov $0xffff;
	s10 =	simm.s32 $0x0;
	s11 =	smov.u32 s5;
	s9 =	sadd.s32 $0x1, s7  }
.LBB2_4:
0xd: {  	vm2 =	veq.s32 v2, $0x80000000;
	v4 =	vand.u32 $0x3, v4;
	v5 =	vor.u32 v6, v5  }
0xe: {  	v1 =	vand.u32 $0x1FFFF, v1;
	v7 =	vshrl.u32 v2, $0x11;
	v56 =	vand.u32 $0x1FFFF, v2  }
0xf: {  	v4 =	vsel vm1, $0xFFFFFFFF, v4;
	v3 =	vor.u32 v3, v5;
	v1 =	vsel vm1, $0xFFFFFFFF, v1  }
0x10: {  	vm1 =	vmmov vm2;
	v7 =	vand.u32 $0x3, v7;
	v54 =	vshrl.u32 v4, $0x2  }
0x11: {  	v4 =	vshll.u32 v4, $0x7;
	v55 =	vshll.u32 v1, $0x2;
	v57 =	vsel vm1, $0xFFFFFFFF, v7  }
0x12: {  	v2 =	vsel vm1, $0xFFFFFFFF, v56;
	v1 =	vand.u32 $0x7F, v1;
	v5 =	vmul.u32 $0x61C00, v54  }
0x13: {  	v6 =	vand.u32 $0xFFFFFE00, v55;
	v4 =	vand.u32 $0x180, v4;
	v7 =	vshrl.u32 v57, $0x2  }
0x14: {  	v59 =	vshll.u32 v2, $0x2;
	v58 =	vmul.u32 $0x61C00, v7;
	v5 =	vadd.s32 v6, v5  }
0x15: {  	v7 =	vand.u32 $0xFFFFFE00, v59;
	v6 =	vshll.u32 v57, $0x7;
	v4 =	vor.u32 v4, v5  }
0x16: {  	v60 =	vadd.s32 v7, v58;
	v61 =	vand.u32 $0x180, v6;
	v1 =	vor.u32 v1, v4  }
0x17: {  	[tilespmem:s16], [sflag:$0x1] =	stream.indirect_vreg.gather [hbm4b:s2+s10], $0x1, v0, vm0, $0x4038;
	v62 =	vand.u32 $0x7F, v2;
	v63 =	vor.u32 v61, v60;
	[tilespmem:$0x1F40] =	vst v63  }
0x18: {  	(ifvalue) =	ssetifvalue $0x7FFFFFFF;
	v0 =	vor.u32 v62, v63  }
0x19: {  	[tilespmem:s15], [sflag:$0x1] =	stream.indirect_vreg.gather [hbm4b:s2+s10], $0x1, v3, vm0, $0x4038;
	[tilespmem:$0x1F40] =	vst v63  }
0x1a: {  	s29 =	sadd.s32 $0x10, s15;
	(ifvalue) =	ssetifvalue $0x7FFFFFFF  }
0x1b: {  	[tilespmem:s29], [sflag:$0x1] =	stream.indirect_vreg.gather [hbm4b:s2+s10], $0x1, v1, vm0, $0x4038;
	[tilespmem:$0x1F40] =	vst v63  }
0x1c: {  	s15 =	sadd.s32 $0x10, s29;
	(ifvalue) =	ssetifvalue $0x7FFFFFFF  }
0x1d: {  	[tilespmem:s15], [sflag:$0x1] =	stream.indirect_vreg.gather [hbm4b:s2+s10], $0x1, v0, vm0, $0x4038;
	[tilespmem:$0x1F40] =	vst v63  }
0x1e: {  	_ =	swait.ge [sflag:s4], $0x7D0  }
0x1f: {  	s30 =	sshrl.u32 s13, $0x3;
	[sflag:s4] =	ssyncset.done $0x0  }
0x20: {  	s31 =	sand.u32 $0x7, s13;
	s15 =	sadd.s32 s8, s30;
	[sflag:s4] =	ssyncadd.s32 $0xFFFFF830  }
0x21: {  	[hbm4b:s15+s31] =	stream.linear.scatter [tilespmem:s14], [sflag:$0x3], $0x7D0, $0x38;
	[tilespmem:$0x1F40] =	vst v63  }
.LBB2_5:
0x22: {  	s15 =	sadd.s32 $0xFA00, s11  }
0x23: {  	p1 =	sgt.s32 s15, $0x1869F  }
0x24: {  	s15 =	smov.u32 @p1 s5;
	p1 =	sne.s32 s12, s9  }
.Ltmp1:
0x25: {  	p0 =	slt.u32 s12, $0x2;
	(pc) =	sbr.rel @!p1 .LBB2_6-.Ltmp1, $4  }
0x26: {  	s14 =	simm.s32 @!p0 $0x3  }
0x27: {  	_ =	swait.ge @!p0 [sflag:s14], $0x7D0  }
0x28: {  	s16 =	sadd.s32 $0x1, s12;
	s13 =	smov.u32 s11;
	[sflag:s14] =	ssyncset.done @!p0 $0x0  }
0x29: {  	s12 =	smov.u32 s16;
	s11 =	smov.u32 s15;
	[sflag:s14] =	ssyncadd.s32 @!p0 $0xFFFFF830  }
.LBB2_1:
0x2a: {  	p0 =	sge.u32 s12, s7  }
0x2b: {  	s14 =	sxor.u32 @!p0 $0x1, s12  }
0x2c: {  	s14 =	smul.u32 @!p0 $0x1F40, s14  }
0x2d: {  	s31 =	sadd.s32 $0xFFFFFFFF, s12;
	s15 =	sshrl.u32 @!p0 s11, $0x3  }
0x2e: {  	s16 =	sand.u32 @!p0 $0x7, s11;
	s15 =	sadd.s32 @!p0 s3, s15;
	s14 =	sshra.s32 @!p0 s14, $0x2  }
0x2f: {  	[tilespmem:s14], [sflag:$0x2] =	stream.linear.gather @!p0 [hbm4b:s15+s16], $0x7D0, $0x38;
	[tilespmem:$0x1F40] =	vst v63  }
0x30: {  	p0 =	sge.u32 s31, s7  }
.Ltmp2:
0x31: {  	_ = 	snop;
	(pc) =	sbr.rel @p0 .LBB2_5-.Ltmp2, $1  }
0x32: {  	_ =	sdelay $0x3  }
0x33: {  	s14 =	sand.u32 $0x1, s12  }
0x34: {  	_ =	swait.ge [sflag:s6], $0x7D0;
	p0 =	seq.s32 s14, $0x1;
	s14 =	simm.s32 $0x7D0  }
0x35: {  	[sflag:s6] =	ssyncset.done $0x0;
	s14 =	simm.s32 @!p0 $0x0  }
0x36: {  	[sflag:s6] =	ssyncadd.s32 $0xFFFFF830;
	(ifvalue) =	ssetifvalue $0x7FFFFFFF;
	v0 =	vld.msk [tilespmem:s14+$0x0 ss:$0x1], $0xffff;
	_ =	sdelay $0x2  }
0x37: {  	s15 =	sadd.s32 $0x10, s14  }
0x38: {  	v2 =	vld.msk [tilespmem:s15+$0x0 ss:$0x1], $0xffff  }
0x39: {  	vm1 =	veq.s32 v0, $0x80000000;
	v1 =	vshrl.u32 v0, $0x11  }
0x3a: {  	vm1 =	vmmov vm1;
	v3 =	vand.u32 $0x3, v1  }
0x3b: {  	v0 =	vand.u32 $0x1FFFF, v0;
	v3 =	vsel vm1, $0xFFFFFFFF, v3  }
0x3c: {  	s15 =	sadd.s32 $0x10, s15;
	v0 =	vsel vm1, $0xFFFFFFFF, v0;
	v4 =	vshrl.u32 v3, $0x2  }
0x3d: {  	v1 =	vld.msk [tilespmem:s15+$0x0 ss:$0x1], $0xffff;
	v6 =	vshrl.u32 v2, $0x11;
	v5 =	vshll.u32 v0, $0x2;
	v4 =	vmul.u32 $0x61C00, v4  }
0x3e: {  	vm1 =	veq.s32 v2, $0x80000000;
	v3 =	vshll.u32 v3, $0x7;
	v5 =	vand.u32 $0xFFFFFE00, v5  }
0x3f: {  	v0 =	vand.u32 $0x7F, v0;
	v3 =	vand.u32 $0x180, v3;
	v4 =	vadd.s32 v5, v4  }
0x40: {  	vm1 =	vmmov vm1;
	v5 =	vand.u32 $0x3, v6;
	v3 =	vor.u32 v3, v4  }
0x41: {  	v2 =	vand.u32 $0x1FFFF, v2;
	v4 =	vsel vm1, $0xFFFFFFFF, v5;
	v0 =	vor.u32 v0, v3  }
0x42: {  	s15 =	sadd.s32 $0x10, s15;
	vm2 =	veq.s32 v1, $0x80000000;
	v3 =	vsel vm1, $0xFFFFFFFF, v2;
	v2 =	vshrl.u32 v4, $0x2  }
0x43: {  	s14 =	sadd.s32 $0xFA0, s14;
	v6 =	vshll.u32 v4, $0x7;
	v5 =	vmul.u32 $0x61C00, v2;
	v4 =	vshll.u32 v3, $0x2;
	v2 =	vld.msk [tilespmem:s15+$0x0 ss:$0x1], $0xffff  }
0x44: {  	s17 =	simm.s32 $0x30;
	s16 =	smov.u32 s14;
	vm1 =	vmmov vm2;
	v3 =	vand.u32 $0x7F, v3;
	v7 =	vand.u32 $0xFFFFFE00, v4  }
0x45: {  	s18 =	sadd.s32 $0x10, s15;
	v6 =	vand.u32 $0x180, v6;
	(ifvalue) =	ssetifvalue $0x7FFFFFFF;
	s15 =	sadd.s32 $0x10, s14;
	v4 =	vshrl.u32 v1, $0x11;
	v5 =	vadd.s32 v7, v5  }
.LBB2_3:
0x46: {  	[tilespmem:s16], [sflag:$0x1] =	stream.indirect_vreg.gather [hbm4b:s2+s10], $0x1, v0, vm0, $0x4038;
	[tilespmem:$0x1F40] =	vst v63  }
0x47: {  	s17 =	sadd.s32 $0x10, s17  }
0x48: {  	vm2 =	veq.s32 v2, $0x80000000;
	v4 =	vand.u32 $0x3, v4;
	v5 =	vor.u32 v6, v5;
	v6 =	vmovc v2;
	v2 =	vld.msk [tilespmem:s18+$0x0 ss:$0x1], $0xffff;
	p0 =	slt.u32 s17, $0x7C0  }
.Ltmp3:
0x49: {  	v7 =	vand.u32 $0x1FFFF, v1;
	s16 =	smov.u32 s15;
	v4 =	vsel vm1, $0xFFFFFFFF, v4;
	v0 =	vor.u32 v3, v5;
	v1 =	vmovc v6;
	(pc) =	sbr.rel @p0 .LBB2_3-.Ltmp3, $4  }
0x4a: {  	v5 =	vsel vm1, $0xFFFFFFFF, v7;
	v6 =	vshrl.u32 v4, $0x2;
	v7 =	vshll.u32 v4, $0x7  }
0x4b: {  	v3 =	vand.u32 $0x7F, v5;
	v4 =	vshll.u32 v5, $0x2;
	v6 =	vmul.u32 $0x61C00, v6  }
0x4c: {  	vm1 =	vmmov vm2;
	v5 =	vand.u32 $0xFFFFFE00, v4  }
0x4d: {  	s18 =	sadd.s32 $0x10, s18;
	s15 =	sadd.s32 $0x10, s15;
	v4 =	vshrl.u32 v1, $0x11;
	v5 =	vadd.s32 v5, v6;
	v6 =	vand.u32 $0x180, v7;
	(ifvalue) =	ssetifvalue $0x7FFFFFFF  }
.Ltmp4:
0x4e: {  	_ = 	snop;
	(pc) =	sbr.rel .LBB2_4-.Ltmp4, $1  }
0x4f: {  	_ =	sdelay $0x3  }
.LBB2_6:
0x50: {  	_ =	sfence.sel $0x180000  }
0x51: {  	s2 =	simm.s32 $0x2;
	[bflag:$0x0] =	sbarrier.arrive $0xFFFF  }
0x52: {  	s30 =	simm.s32 $0x3;
	[sflag:s2] =	ssyncpa.u1 $0x1  }
0x53: {  	s31 =	simm.s32 $0x1;
	[sflag:s30] =	ssyncpa.u1 $0x1  }
0x54: {  	[sflag:s31] =	ssyncpa.u1 $0x1  }
0x55: {  	p0 =	sne.s32 s1, $0x0;
	_ =	strace $0x9000004D  }
0x56: {  	s0 =	sadd.s32 @!p0 $0x100000, s0;
	[bflag:$0x2] =	sbarrier.arrive $0xFFFF  }
0x57: {  	[sflag:s0] =	ssyncadd.tile.s32 @!p0 $0x1;
	_ =	shalt  }
.Lfunc_end2:
_tile_overlayer_lowered:
.L_overlay_start_2:
0x58: {  	(tag) =	ssettag $0x2  }
0x59: {  	s0 =	rddreg [dreg:$0x0];
	s2 =	stileid.u32  }
0x5a: {  	s1 =	rddreg [dreg:$0x1];
	p0 =	sne.s32 s2, $0x0  }
0x5b: {  	s3 =	rddreg [dreg:$0x2];
	[bflag:$0x3] =	sbarrier.arrive $0xFFFF;
	s2 =	simm.s32 @!p0 $0x1C01  }
0x5c: {  	[timem:s3], [sflag:s2] =	dma.local @!p0 [hbm:s0], s1  }
0x5d: {  	s0 =	simm.s32 @!p0 $0x1  }
0x5e: {  	_ =	swait.ge @!p0 [sflag:s0], s1  }
0x5f: {  	s1 =	ssub.s32 @!p0 $0x0, s1;
	[sflag:s0] =	ssyncset.done @!p0 $0x0  }
0x60: {  	[sflag:s0] =	ssyncadd.s32 @!p0 s1  }
0x61: {  	[bflag:$0x3] =	sbarrier.arrive $0xFFFF  }
0x62: {  	_ =	shalt  }

// kernel: gather_offload_async_start.5
scs
__scs_entry_jumppad:
0x0: {  	(pc) =	sbr.rel $0x88, $3  }
0x1: {  	(tag) =	ssettag $0x0;
	lr =	simm.s32 $0x1  }
0x2: {  	[smem:$0x3F9F] =	sst lr;
	_ =	strace $0xD0000000  }
0x3: {  	_ = 	snop  }
0x4: {  	_ = 	snop  }
0x5: {  	_ = 	snop  }
0x6: {  	_ = 	snop  }
0x7: {  	_ = 	snop  }
__scs_overlays_trampoline_lowered:
0x8: {  	[smem:$0x3FAE] =	sst s0  }
0x9: {  	[smem:$0x3FAF] =	sst s1  }
0xa: {  	[smem:$0x3FB0] =	sst s2  }
0xb: {  	[smem:$0x3FB1] =	sst s3  }
0xc: {  	[smem:$0x3FB2] =	sst s4  }
0xd: {  	[smem:$0x3FB3] =	sst s5  }
0xe: {  	[smem:$0x3FB4] =	sst s6  }
0xf: {  	[smem:$0x3FB5] =	sst s7  }
0x10: {  	[smem:$0x3FB6] =	sst s8  }
0x11: {  	[smem:$0x3FB7] =	sst s9;
	s0 =	simm.s32 @!p0 $0x0  }
0x12: {  	s1 =	sld [smem:$0x3F9D];
	s0 =	simm.s32 @p0 $0x1  }
0x13: {  	[smem:$0x3FB8] =	sst s0;
	s0 =	simm.s32 @!p1 $0x0  }
0x14: {  	s2 =	sld [smem:$0x3F9C];
	s0 =	simm.s32 @p1 $0x1  }
0x15: {  	[smem:$0x3FB9] =	sst s0;
	s0 =	simm.s32 @!p2 $0x0  }
0x16: {  	s3 =	sld [smem:$0x3FDB];
	s0 =	simm.s32 @p2 $0x1  }
0x17: {  	s4 =	simm.s32 $0x1BF5;
	[smem:$0x3FBB] =	sst s0  }
0x18: {  	s0 =	sld [smem:$0x3F9E];
	_ =	swait.ge [sflag:s4], $0x0  }
0x19: {  	s7 =	sld [smem:$0x3F9F]  }
0x1a: {  	s8 =	sadd.s32 $0xFFFFE003, lr  }
0x1b: {  	s9 =	sadd.s32 $0xFFFFFEF7, lr;
	s5 =	simm.s32 $0xFFFFFFFF;
	p2 =	slt.u32 s8, $0xFFFFF086  }
0x1c: {  	p1 =	slt.u32 s9, $0xF7A;
	s5 =	simm.s32 @!p2 $0x0  }
0x1d: {  	s5 =	simm.s32 @p1 $0x1;
	p0 =	seq.s32 s7, s2  }
0x1e: {  	s7 =	smul.u32 @!p0 $0xF7A, s2;
	p2 =	seq.s32 @!p0 s5, $0x0  }
0x1f: {  	s9 =	smul.u32 $0xF7A, s1;
	s8 =	simm.s32 @!p0 $0x1BF5;
	p2 =	por !p2, p0  }
0x20: {  	[sflag:s8] =	ssyncset.s32 @!p0 $0xFFFFF086;
	s6 =	sadd.s32 @!p0 s3, s7;
	s7 =	simm.s32 @!p0 $0x108  }
0x21: {  	s3 =	sadd.s32 s3, s9;
	s6 =	sadd.s32 @!p0 $0x88, s6;
	s7 =	simm.s32 @p2 $0x1082  }
0x22: {  	[simem:s7], [sflag:s8] =	dma.local @!p0 [hbm:s6], $0xF7A  }
0x23: {  	s9 =	sor.u32 $0xD0000000, s2;
	s6 =	simm.s32 $0x108;
	_ =	swait.ge @!p0 [sflag:s8], $0x0  }
0x24: {  	s3 =	sadd.s32 $0x88, s3;
	s6 =	simm.s32 @!p1 $0x1082;
	[sflag:s4] =	ssyncset.s32 $0xFFFFF086  }
0x25: {  	[simem:s6], [sflag:s4] =	dma.local [hbm:s3], $0xF7A  }
0x26: {  	[smem:$0x3F9F] =	sst s1;
	(tag) =	ssettag s2;
	_ =	strace s9  }
0x27: {  	s1 =	sld [smem:$0x3FAF]  }
0x28: {  	s2 =	sld [smem:$0x3FB0]  }
0x29: {  	s4 =	sld [smem:$0x3FB2]  }
0x2a: {  	p0 =	seq.s32 s5, $0x0;
	s5 =	sld [smem:$0x3FB3]  }
0x2b: {  	s6 =	sld [smem:$0x3FB4]  }
0x2c: {  	s7 =	sld [smem:$0x3FB5]  }
0x2d: {  	s3 =	simm.s32 $0x108;
	s8 =	sld [smem:$0x3FB6]  }
0x2e: {  	s3 =	simm.s32 @!p0 $0x1082;
	s9 =	sld [smem:$0x3FB7]  }
0x2f: {  	lr =	sadd.s32 s0, s3;
	s0 =	sld [smem:$0x3FAE]  }
0x30: {  	s3 =	sld [smem:$0x3FB1]  }
0x31: {  	[smem:$0x3FBA] =	sst s10  }
0x32: {  	s10 =	sld [smem:$0x3FB8];
	_ =	sdelay $0x3  }
0x33: {  	p0 =	seq.s32 s10, $0x1;
	s10 =	sld [smem:$0x3FBA];
	_ =	sdelay $0x3  }
0x34: {  	[smem:$0x3FBA] =	sst s10  }
0x35: {  	s10 =	sld [smem:$0x3FB9];
	_ =	sdelay $0x3  }
0x36: {  	p1 =	seq.s32 s10, $0x1;
	s10 =	sld [smem:$0x3FBA];
	_ =	sdelay $0x3  }
0x37: {  	[smem:$0x3FBA] =	sst s10  }
0x38: {  	s10 =	sld [smem:$0x3FBB]  }
0x39: {  	_ = 	snop;
	(pc) =	sbr.ind lr, $3  }
0x3a: {  	_ = 	snop  }
0x3b: {  	_ = 	snop  }
0x3c: {  	p2 =	seq.s32 s10, $0x1;
	s10 =	sld [smem:$0x3FBA]  }
0x3d: {  	_ =	shalt  }
0x3e: {  	_ =	shalt  }
0x3f: {  	_ =	shalt  }
0x40: {  	_ =	shalt  }
0x41: {  	_ =	shalt  }
0x42: {  	_ =	shalt  }
0x43: {  	_ =	shalt  }
0x44: {  	_ =	shalt  }
0x45: {  	_ =	shalt  }
0x46: {  	_ =	shalt  }
0x47: {  	_ =	shalt  }
0x48: {  	_ =	shalt  }
0x49: {  	_ =	shalt  }
0x4a: {  	_ =	shalt  }
0x4b: {  	_ =	shalt  }
0x4c: {  	_ =	shalt  }
0x4d: {  	_ =	shalt  }
0x4e: {  	_ =	shalt  }
0x4f: {  	_ =	shalt  }
0x50: {  	_ =	shalt  }
0x51: {  	_ =	shalt  }
0x52: {  	_ =	shalt  }
0x53: {  	_ =	shalt  }
0x54: {  	_ =	shalt  }
0x55: {  	_ =	shalt  }
0x56: {  	_ =	shalt  }
0x57: {  	_ =	shalt  }
0x58: {  	_ =	shalt  }
0x59: {  	_ =	shalt  }
0x5a: {  	_ =	shalt  }
0x5b: {  	_ =	shalt  }
0x5c: {  	_ =	shalt  }
0x5d: {  	_ =	shalt  }
0x5e: {  	_ =	shalt  }
0x5f: {  	_ =	shalt  }
0x60: {  	_ =	shalt  }
0x61: {  	_ =	shalt  }
0x62: {  	_ =	shalt  }
0x63: {  	_ =	shalt  }
0x64: {  	_ =	shalt  }
0x65: {  	_ =	shalt  }
0x66: {  	_ =	shalt  }
0x67: {  	_ =	shalt  }
0x68: {  	_ =	shalt  }
0x69: {  	_ =	shalt  }
0x6a: {  	_ =	shalt  }
0x6b: {  	_ =	shalt  }
0x6c: {  	_ =	shalt  }
0x6d: {  	_ =	shalt  }
0x6e: {  	_ =	shalt  }
0x6f: {  	_ =	shalt  }
0x70: {  	_ =	shalt  }
0x71: {  	_ =	shalt  }
0x72: {  	_ =	shalt  }
0x73: {  	_ =	shalt  }
0x74: {  	_ =	shalt  }
0x75: {  	_ =	shalt  }
0x76: {  	_ =	shalt  }
0x77: {  	_ =	shalt  }
0x78: {  	_ =	shalt  }
0x79: {  	_ =	shalt  }
0x7a: {  	_ =	shalt  }
0x7b: {  	_ =	shalt  }
0x7c: {  	_ =	shalt  }
0x7d: {  	_ =	shalt  }
0x7e: {  	_ =	shalt  }
0x7f: {  	_ =	shalt  }
0x80: {  	_ =	shalt  }
0x81: {  	_ =	shalt  }
0x82: {  	_ =	shalt  }
0x83: {  	_ =	shalt  }
0x84: {  	_ =	shalt  }
0x85: {  	_ =	shalt  }
0x86: {  	_ =	shalt  }
0x87: {  	_ =	shalt  }
.Lfunc_end0:
.L_simem_size_0:
called_computation.5_lowered:
.L_overlay_start_0:
0x88: {  	s2 =	sld [smem:$0x3FD9]  }
0x89: {  	s3 =	sld [smem:$0x3FFE];
	_ =	sdelay $0x1  }
0x8a: {  	s1 =	srdreg.scid  }
0x8b: {  	s0 =	sand.u32 $0x1, s1  }
0x8c: {  	s17 =	sshll.u32 s0, $0xA;
	s2 =	sadd.s32 s3, s2  }
0x8d: {  	s2 =	sadd.s32 s2, s17  }
0x8e: {  	[smem:$0x3FC6] =	sst s2  }
0x8f: {  	_ = 	snop  }
0x90: {  	s2 =	sld [smem:$0x3FC9];
	(tm) =	ssettm $0x1  }
0x91: {  	s18 =	sld [smem:$0x3FFB];
	_ =	sdelay $0x3  }
0x92: {  	_ =	strace s18  }
0x93: {  	s3 =	sld [smem:$0x3FFC];
	_ =	sdelay $0x3  }
0x94: {  	_ =	strace s3  }
0x95: {  	s3 =	sld [smem:$0x3FFD];
	_ =	sdelay $0x3  }
0x96: {  	_ =	strace s3  }
0x97: {  	_ =	strace $0x8FFFFFFF  }
0x98: {  	s19 =	sld [smem:$0x3FDB];
	_ =	sdelay $0x1  }
0x99: {  	s4 =	simm.s32 $_scs_section_size  }
0x9a: {  	s5 =	simm.s32 $_size__tile_overlayer_lowered;
	s6 =	simm.s32 $_tile_overlayer_lowered  }
0x9b: {  	s22 =	simm.s32 $0x1BFF;
	s21 =	sshll.u32 s6, $0x1;
	s3 =	sadd.s32 s4, s19  }
0x9c: {  	s7 =	simm.s32 $0x0;
	s20 =	sshll.u32 s5, $0x1;
	s5 =	sadd.s32 s21, s3  }
0x9d: {  	[timem:s7], [sflag:s22] =	dma.local [hbm:s5], s20  }
0x9e: {  	_ =	swait.ge [sflag:s22], s20  }
0x9f: {  	s4 =	ssub.s32 $0x0, s20;
	[sflag:s22] =	ssyncset.done $0x0  }
0xa0: {  	[sflag:s22] =	ssyncadd.s32 s4;
	_ =	sdelay $0x1  }
0xa1: {  	s23 =	simm.s32 $0x1B8B  }
0xa2: {  	_ =	swait.ge [sflag:s23], $0x1  }
0xa3: {  	[sflag:s23] =	ssyncset.done $0x0  }
0xa4: {  	s25 =	simm.s32 $0x1B8E;
	s24 =	sld [smem:$0x3FFE];
	[sflag:s23] =	ssyncadd.s32 $0xFFFFFFFF  }
0xa5: {  	s26 =	simm.s32 $execute0_lowered;
	[smem:$0x3FD2] =	sst s25  }
0xa6: {  	s5 =	sshll.u32 s26, $0x1;
	_ =	strace $0x8000004F;
	[dreg:$0x1] =	wrdreg $0xFFFFFFFF  }
0xa7: {  	s28 =	simm.s32 $_size_execute0_lowered;
	s3 =	sadd.s32 s3, s5;
	[dreg:$0x0] =	wrdreg $0x0  }
0xa8: {  	s5 =	sshll.u32 s28, $0x1;
	[dreg:$0x2] =	wrdreg s3  }
0xa9: {  	[dreg:$0x3] =	wrdreg s5  }
0xaa: {  	[dreg:$0x4] =	wrdreg $0xC0  }
0xab: {  	_ =	task [dreg:s7], $0x5FFFF  }
0xac: {  	[dreg:$0x1] =	wrdreg $0xFFFFFFFF  }
0xad: {  	[dreg:$0x0] =	wrdreg $0x60  }
0xae: {  	[dreg:$0x2] =	wrdreg s2  }
0xaf: {  	[dreg:$0x3] =	wrdreg s24  }
0xb0: {  	[dreg:$0x4] =	wrdreg $0x9  }
0xb1: {  	_ =	task.clear_ibuf [dreg:s7], $0x5FFFF;
	_ =	strace $0x9000004F  }
0xb2: {  	s29 =	simm.s32 $0x9;
	_ =	strace $0x80000051  }
0xb3: {  	_ =	swait.ge [sflag:s29], $0x1  }
0xb4: {  	[sflag:s29] =	ssyncadd.s32 $0xFFFFFFFF  }
0xb5: {  	_ =	strace $0x90000051  }
0xb6: {  	_ =	sfence  }
0xb7: {  	s30 =	sld [smem:$0x0];
	_ =	sdelay $0x2  }
0xb8: {  	s31 =	sshll.u32 s1, $0xD;
	s1 =	sshrl.u32 s1, $0x2  }
0xb9: {  	s3 =	sand.u32 $0x4000, s31;
	s1 =	sadd.s32 s1, s30  }
0xba: {  	s0 =	sor.u32 s3, s0;
	s1 =	sshll.u32 s1, $0x11  }
0xbb: {  	s0 =	sor.u32 s1, s0  }
0xbc: {  	s0 =	sadd.s32 $0x8F2B, s0  }
0xbd: {  	[sflag:s0] =	ssyncadd.remote.s32 $0x1  }
0xbe: {  	_ =	sfence.sel $0xFFFF  }
0xbf: {  	[dreg:$0x0] =	wrdreg $0xFFFFFFFF;
	(pc) =	sbr.abs _section_cstart, $3  }
0xc0: {  	[dreg:$0x1] =	wrdreg $0xFFFFFFFF  }
0xc1: {  	_ =	task.clear_ibuf [dreg:s7], $0x2FFFF;
	_ =	strace $0x9FFFFFFF  }
0xc2: {  	(tm) =	ssettm $0x7FFFFFFF  }
0xc3: {  	_ =	shalt  }
tec
execute0_lowered:
.L_overlay_start_1:
0x0: {  	(tag) =	ssettag $0x1  }
0x1: {  	s2 =	rddreg [dreg:$0x0]  }
0x2: {  	s8 =	rddreg [dreg:$0x1]  }
0x3: {  	s0 =	rddreg [dreg:$0x2];
	s1 =	stileid.u32  }
0x4: {  	s3 =	srdreg.scid;
	_ =	strace $0x80000050;
	s4 =	simm.s32 $0x1  }
0x5: {  	s7 =	simm.s32 $0x1;
	s9 =	simm.s32 $0x1;
	s10 =	simm.s32 $0x3  }
0x6: {  	s13 =	simm.s32 $0x0;
	s5 =	sand.u32 $0x1, s3;
	s6 =	sshll.u32 s1, $0x1  }
0x7: {  	s12 =	simm.s32 $0x0;
	s3 =	sadd.s32 $0x5DC00, s8;
	s5 =	sor.u32 s6, s5  }
.Ltmp0:
0x8: {  	[sflag:s4] =	ssyncpa.u1 $0x0;
	p0 =	slt.u32 s5, $0x13;
	(pc) =	sbr.rel .LBB2_1-.Ltmp0, $4  }
0x9: {  	s6 =	simm.s32 $0x2;
	s7 =	simm.s32 @!p0 $0x0;
	p0 =	sne.s32 s5, $0x12  }
0xa: {  	[sflag:s6] =	ssyncpa.u1 $0x0;
	s5 =	smul.u32 $0x7D0, s5;
	s9 =	simm.s32 @!p0 $0x0  }
0xb: {  	s8 =	sadd.s32 $0x60E00, s8;
	[sflag:s10] =	ssyncpa.u1 $0x0;
	s7 =	sadd.s32 s9, s7  }
0xc: {  	vm0 =	vmmov $0xffff;
	s10 =	simm.s32 $0x0;
	s11 =	smov.u32 s5;
	s9 =	sadd.s32 $0x1, s7  }
.LBB2_4:
0xd: {  	vm2 =	veq.s32 v2, $0x80000000;
	v4 =	vand.u32 $0x3, v4;
	v5 =	vor.u32 v6, v5  }
0xe: {  	v1 =	vand.u32 $0x1FFFF, v1;
	v7 =	vshrl.u32 v2, $0x11;
	v56 =	vand.u32 $0x1FFFF, v2  }
0xf: {  	v4 =	vsel vm1, $0xFFFFFFFF, v4;
	v3 =	vor.u32 v3, v5;
	v1 =	vsel vm1, $0xFFFFFFFF, v1  }
0x10: {  	vm1 =	vmmov vm2;
	v7 =	vand.u32 $0x3, v7;
	v54 =	vshrl.u32 v4, $0x2  }
0x11: {  	v4 =	vshll.u32 v4, $0x7;
	v55 =	vshll.u32 v1, $0x2;
	v57 =	vsel vm1, $0xFFFFFFFF, v7  }
0x12: {  	v2 =	vsel vm1, $0xFFFFFFFF, v56;
	v1 =	vand.u32 $0x7F, v1;
	v5 =	vmul.u32 $0x61C00, v54  }
0x13: {  	v6 =	vand.u32 $0xFFFFFE00, v55;
	v4 =	vand.u32 $0x180, v4;
	v7 =	vshrl.u32 v57, $0x2  }
0x14: {  	v59 =	vshll.u32 v2, $0x2;
	v58 =	vmul.u32 $0x61C00, v7;
	v5 =	vadd.s32 v6, v5  }
0x15: {  	v7 =	vand.u32 $0xFFFFFE00, v59;
	v6 =	vshll.u32 v57, $0x7;
	v4 =	vor.u32 v4, v5  }
0x16: {  	v60 =	vadd.s32 v7, v58;
	v61 =	vand.u32 $0x180, v6;
	v1 =	vor.u32 v1, v4  }
0x17: {  	[tilespmem:s16], [sflag:$0x1] =	stream.indirect_vreg.gather [hbm4b:s2+s10], $0x1, v0, vm0, $0x4038;
	v62 =	vand.u32 $0x7F, v2;
	v63 =	vor.u32 v61, v60;
	[tilespmem:$0x1F40] =	vst v63  }
0x18: {  	(ifvalue) =	ssetifvalue $0x7FFFFFFF;
	v0 =	vor.u32 v62, v63  }
0x19: {  	[tilespmem:s15], [sflag:$0x1] =	stream.indirect_vreg.gather [hbm4b:s2+s10], $0x1, v3, vm0, $0x4038;
	[tilespmem:$0x1F40] =	vst v63  }
0x1a: {  	s29 =	sadd.s32 $0x10, s15;
	(ifvalue) =	ssetifvalue $0x7FFFFFFF  }
0x1b: {  	[tilespmem:s29], [sflag:$0x1] =	stream.indirect_vreg.gather [hbm4b:s2+s10], $0x1, v1, vm0, $0x4038;
	[tilespmem:$0x1F40] =	vst v63  }
0x1c: {  	s15 =	sadd.s32 $0x10, s29;
	(ifvalue) =	ssetifvalue $0x7FFFFFFF  }
0x1d: {  	[tilespmem:s15], [sflag:$0x1] =	stream.indirect_vreg.gather [hbm4b:s2+s10], $0x1, v0, vm0, $0x4038;
	[tilespmem:$0x1F40] =	vst v63  }
0x1e: {  	_ =	swait.ge [sflag:s4], $0x7D0  }
0x1f: {  	s30 =	sshrl.u32 s13, $0x3;
	[sflag:s4] =	ssyncset.done $0x0  }
0x20: {  	s31 =	sand.u32 $0x7, s13;
	s15 =	sadd.s32 s8, s30;
	[sflag:s4] =	ssyncadd.s32 $0xFFFFF830  }
0x21: {  	[hbm4b:s15+s31] =	stream.linear.scatter [tilespmem:s14], [sflag:$0x3], $0x7D0, $0x38;
	[tilespmem:$0x1F40] =	vst v63  }
.LBB2_5:
0x22: {  	s15 =	sadd.s32 $0xFA00, s11  }
0x23: {  	p1 =	sgt.s32 s15, $0x1869F  }
0x24: {  	s15 =	smov.u32 @p1 s5;
	p1 =	sne.s32 s12, s9  }
.Ltmp1:
0x25: {  	p0 =	slt.u32 s12, $0x2;
	(pc) =	sbr.rel @!p1 .LBB2_6-.Ltmp1, $4  }
0x26: {  	s14 =	simm.s32 @!p0 $0x3  }
0x27: {  	_ =	swait.ge @!p0 [sflag:s14], $0x7D0  }
0x28: {  	s16 =	sadd.s32 $0x1, s12;
	s13 =	smov.u32 s11;
	[sflag:s14] =	ssyncset.done @!p0 $0x0  }
0x29: {  	s12 =	smov.u32 s16;
	s11 =	smov.u32 s15;
	[sflag:s14] =	ssyncadd.s32 @!p0 $0xFFFFF830  }
.LBB2_1:
0x2a: {  	p0 =	sge.u32 s12, s7  }
0x2b: {  	s14 =	sxor.u32 @!p0 $0x1, s12  }
0x2c: {  	s14 =	smul.u32 @!p0 $0x1F40, s14  }
0x2d: {  	s31 =	sadd.s32 $0xFFFFFFFF, s12;
	s15 =	sshrl.u32 @!p0 s11, $0x3  }
0x2e: {  	s16 =	sand.u32 @!p0 $0x7, s11;
	s15 =	sadd.s32 @!p0 s3, s15;
	s14 =	sshra.s32 @!p0 s14, $0x2  }
0x2f: {  	[tilespmem:s14], [sflag:$0x2] =	stream.linear.gather @!p0 [hbm4b:s15+s16], $0x7D0, $0x38;
	[tilespmem:$0x1F40] =	vst v63  }
0x30: {  	p0 =	sge.u32 s31, s7  }
.Ltmp2:
0x31: {  	_ = 	snop;
	(pc) =	sbr.rel @p0 .LBB2_5-.Ltmp2, $1  }
0x32: {  	_ =	sdelay $0x3  }
0x33: {  	s14 =	sand.u32 $0x1, s12  }
0x34: {  	_ =	swait.ge [sflag:s6], $0x7D0;
	p0 =	seq.s32 s14, $0x1;
	s14 =	simm.s32 $0x7D0  }
0x35: {  	[sflag:s6] =	ssyncset.done $0x0;
	s14 =	simm.s32 @!p0 $0x0  }
0x36: {  	[sflag:s6] =	ssyncadd.s32 $0xFFFFF830;
	(ifvalue) =	ssetifvalue $0x7FFFFFFF;
	v0 =	vld.msk [tilespmem:s14+$0x0 ss:$0x1], $0xffff;
	_ =	sdelay $0x2  }
0x37: {  	s15 =	sadd.s32 $0x10, s14  }
0x38: {  	v2 =	vld.msk [tilespmem:s15+$0x0 ss:$0x1], $0xffff  }
0x39: {  	vm1 =	veq.s32 v0, $0x80000000;
	v1 =	vshrl.u32 v0, $0x11  }
0x3a: {  	vm1 =	vmmov vm1;
	v3 =	vand.u32 $0x3, v1  }
0x3b: {  	v0 =	vand.u32 $0x1FFFF, v0;
	v3 =	vsel vm1, $0xFFFFFFFF, v3  }
0x3c: {  	s15 =	sadd.s32 $0x10, s15;
	v0 =	vsel vm1, $0xFFFFFFFF, v0;
	v4 =	vshrl.u32 v3, $0x2  }
0x3d: {  	v1 =	vld.msk [tilespmem:s15+$0x0 ss:$0x1], $0xffff;
	v6 =	vshrl.u32 v2, $0x11;
	v5 =	vshll.u32 v0, $0x2;
	v4 =	vmul.u32 $0x61C00, v4  }
0x3e: {  	vm1 =	veq.s32 v2, $0x80000000;
	v3 =	vshll.u32 v3, $0x7;
	v5 =	vand.u32 $0xFFFFFE00, v5  }
0x3f: {  	v0 =	vand.u32 $0x7F, v0;
	v3 =	vand.u32 $0x180, v3;
	v4 =	vadd.s32 v5, v4  }
0x40: {  	vm1 =	vmmov vm1;
	v5 =	vand.u32 $0x3, v6;
	v3 =	vor.u32 v3, v4  }
0x41: {  	v2 =	vand.u32 $0x1FFFF, v2;
	v4 =	vsel vm1, $0xFFFFFFFF, v5;
	v0 =	vor.u32 v0, v3  }
0x42: {  	s15 =	sadd.s32 $0x10, s15;
	vm2 =	veq.s32 v1, $0x80000000;
	v3 =	vsel vm1, $0xFFFFFFFF, v2;
	v2 =	vshrl.u32 v4, $0x2  }
0x43: {  	s14 =	sadd.s32 $0xFA0, s14;
	v6 =	vshll.u32 v4, $0x7;
	v5 =	vmul.u32 $0x61C00, v2;
	v4 =	vshll.u32 v3, $0x2;
	v2 =	vld.msk [tilespmem:s15+$0x0 ss:$0x1], $0xffff  }
0x44: {  	s17 =	simm.s32 $0x30;
	s16 =	smov.u32 s14;
	vm1 =	vmmov vm2;
	v3 =	vand.u32 $0x7F, v3;
	v7 =	vand.u32 $0xFFFFFE00, v4  }
0x45: {  	s18 =	sadd.s32 $0x10, s15;
	v6 =	vand.u32 $0x180, v6;
	(ifvalue) =	ssetifvalue $0x7FFFFFFF;
	s15 =	sadd.s32 $0x10, s14;
	v4 =	vshrl.u32 v1, $0x11;
	v5 =	vadd.s32 v7, v5  }
.LBB2_3:
0x46: {  	[tilespmem:s16], [sflag:$0x1] =	stream.indirect_vreg.gather [hbm4b:s2+s10], $0x1, v0, vm0, $0x4038;
	[tilespmem:$0x1F40] =	vst v63  }
0x47: {  	s17 =	sadd.s32 $0x10, s17  }
0x48: {  	vm2 =	veq.s32 v2, $0x80000000;
	v4 =	vand.u32 $0x3, v4;
	v5 =	vor.u32 v6, v5;
	v6 =	vmovc v2;
	v2 =	vld.msk [tilespmem:s18+$0x0 ss:$0x1], $0xffff;
	p0 =	slt.u32 s17, $0x7C0  }
.Ltmp3:
0x49: {  	v7 =	vand.u32 $0x1FFFF, v1;
	s16 =	smov.u32 s15;
	v4 =	vsel vm1, $0xFFFFFFFF, v4;
	v0 =	vor.u32 v3, v5;
	v1 =	vmovc v6;
	(pc) =	sbr.rel @p0 .LBB2_3-.Ltmp3, $4  }
0x4a: {  	v5 =	vsel vm1, $0xFFFFFFFF, v7;
	v6 =	vshrl.u32 v4, $0x2;
	v7 =	vshll.u32 v4, $0x7  }
0x4b: {  	v3 =	vand.u32 $0x7F, v5;
	v4 =	vshll.u32 v5, $0x2;
	v6 =	vmul.u32 $0x61C00, v6  }
0x4c: {  	vm1 =	vmmov vm2;
	v5 =	vand.u32 $0xFFFFFE00, v4  }
0x4d: {  	s18 =	sadd.s32 $0x10, s18;
	s15 =	sadd.s32 $0x10, s15;
	v4 =	vshrl.u32 v1, $0x11;
	v5 =	vadd.s32 v5, v6;
	v6 =	vand.u32 $0x180, v7;
	(ifvalue) =	ssetifvalue $0x7FFFFFFF  }
.Ltmp4:
0x4e: {  	_ = 	snop;
	(pc) =	sbr.rel .LBB2_4-.Ltmp4, $1  }
0x4f: {  	_ =	sdelay $0x3  }
.LBB2_6:
0x50: {  	_ =	sfence.sel $0x180000  }
0x51: {  	s2 =	simm.s32 $0x2;
	[bflag:$0x0] =	sbarrier.arrive $0xFFFF  }
0x52: {  	s30 =	simm.s32 $0x3;
	[sflag:s2] =	ssyncpa.u1 $0x1  }
0x53: {  	s31 =	simm.s32 $0x1;
	[sflag:s30] =	ssyncpa.u1 $0x1  }
0x54: {  	[sflag:s31] =	ssyncpa.u1 $0x1  }
0x55: {  	p0 =	sne.s32 s1, $0x0;
	_ =	strace $0x90000050  }
0x56: {  	s0 =	sadd.s32 @!p0 $0x100000, s0;
	[bflag:$0x2] =	sbarrier.arrive $0xFFFF  }
0x57: {  	[sflag:s0] =	ssyncadd.tile.s32 @!p0 $0x1;
	_ =	shalt  }
.Lfunc_end2:
_tile_overlayer_lowered:
.L_overlay_start_2:
0x58: {  	(tag) =	ssettag $0x2  }
0x59: {  	s0 =	rddreg [dreg:$0x0];
	s2 =	stileid.u32  }
0x5a: {  	s1 =	rddreg [dreg:$0x1];
	p0 =	sne.s32 s2, $0x0  }
0x5b: {  	s3 =	rddreg [dreg:$0x2];
	[bflag:$0x3] =	sbarrier.arrive $0xFFFF;
	s2 =	simm.s32 @!p0 $0x1C01  }
0x5c: {  	[timem:s3], [sflag:s2] =	dma.local @!p0 [hbm:s0], s1  }
0x5d: {  	s0 =	simm.s32 @!p0 $0x1  }
0x5e: {  	_ =	swait.ge @!p0 [sflag:s0], s1  }
0x5f: {  	s1 =	ssub.s32 @!p0 $0x0, s1;
	[sflag:s0] =	ssyncset.done @!p0 $0x0  }
0x60: {  	[sflag:s0] =	ssyncadd.s32 @!p0 s1  }
0x61: {  	[bflag:$0x3] =	sbarrier.arrive $0xFFFF  }
0x62: {  	_ =	shalt  }

// kernel: gather_offload_async_start
scs
__scs_entry_jumppad:
0x0: {  	(pc) =	sbr.rel $0x88, $3  }
0x1: {  	(tag) =	ssettag $0x0;
	lr =	simm.s32 $0x1  }
0x2: {  	[smem:$0x3F9F] =	sst lr;
	_ =	strace $0xD0000000  }
0x3: {  	_ = 	snop  }
0x4: {  	_ = 	snop  }
0x5: {  	_ = 	snop  }
0x6: {  	_ = 	snop  }
0x7: {  	_ = 	snop  }
__scs_overlays_trampoline_lowered:
0x8: {  	[smem:$0x3FAE] =	sst s0  }
0x9: {  	[smem:$0x3FAF] =	sst s1  }
0xa: {  	[smem:$0x3FB0] =	sst s2  }
0xb: {  	[smem:$0x3FB1] =	sst s3  }
0xc: {  	[smem:$0x3FB2] =	sst s4  }
0xd: {  	[smem:$0x3FB3] =	sst s5  }
0xe: {  	[smem:$0x3FB4] =	sst s6  }
0xf: {  	[smem:$0x3FB5] =	sst s7  }
0x10: {  	[smem:$0x3FB6] =	sst s8  }
0x11: {  	[smem:$0x3FB7] =	sst s9;
	s0 =	simm.s32 @!p0 $0x0  }
0x12: {  	s1 =	sld [smem:$0x3F9D];
	s0 =	simm.s32 @p0 $0x1  }
0x13: {  	[smem:$0x3FB8] =	sst s0;
	s0 =	simm.s32 @!p1 $0x0  }
0x14: {  	s2 =	sld [smem:$0x3F9C];
	s0 =	simm.s32 @p1 $0x1  }
0x15: {  	[smem:$0x3FB9] =	sst s0;
	s0 =	simm.s32 @!p2 $0x0  }
0x16: {  	s3 =	sld [smem:$0x3FDB];
	s0 =	simm.s32 @p2 $0x1  }
0x17: {  	s4 =	simm.s32 $0x1BF5;
	[smem:$0x3FBB] =	sst s0  }
0x18: {  	s0 =	sld [smem:$0x3F9E];
	_ =	swait.ge [sflag:s4], $0x0  }
0x19: {  	s7 =	sld [smem:$0x3F9F]  }
0x1a: {  	s8 =	sadd.s32 $0xFFFFE003, lr  }
0x1b: {  	s9 =	sadd.s32 $0xFFFFFEF7, lr;
	s5 =	simm.s32 $0xFFFFFFFF;
	p2 =	slt.u32 s8, $0xFFFFF086  }
0x1c: {  	p1 =	slt.u32 s9, $0xF7A;
	s5 =	simm.s32 @!p2 $0x0  }
0x1d: {  	s5 =	simm.s32 @p1 $0x1;
	p0 =	seq.s32 s7, s2  }
0x1e: {  	s7 =	smul.u32 @!p0 $0xF7A, s2;
	p2 =	seq.s32 @!p0 s5, $0x0  }
0x1f: {  	s9 =	smul.u32 $0xF7A, s1;
	s8 =	simm.s32 @!p0 $0x1BF5;
	p2 =	por !p2, p0  }
0x20: {  	[sflag:s8] =	ssyncset.s32 @!p0 $0xFFFFF086;
	s6 =	sadd.s32 @!p0 s3, s7;
	s7 =	simm.s32 @!p0 $0x108  }
0x21: {  	s3 =	sadd.s32 s3, s9;
	s6 =	sadd.s32 @!p0 $0x88, s6;
	s7 =	simm.s32 @p2 $0x1082  }
0x22: {  	[simem:s7], [sflag:s8] =	dma.local @!p0 [hbm:s6], $0xF7A  }
0x23: {  	s9 =	sor.u32 $0xD0000000, s2;
	s6 =	simm.s32 $0x108;
	_ =	swait.ge @!p0 [sflag:s8], $0x0  }
0x24: {  	s3 =	sadd.s32 $0x88, s3;
	s6 =	simm.s32 @!p1 $0x1082;
	[sflag:s4] =	ssyncset.s32 $0xFFFFF086  }
0x25: {  	[simem:s6], [sflag:s4] =	dma.local [hbm:s3], $0xF7A  }
0x26: {  	[smem:$0x3F9F] =	sst s1;
	(tag) =	ssettag s2;
	_ =	strace s9  }
0x27: {  	s1 =	sld [smem:$0x3FAF]  }
0x28: {  	s2 =	sld [smem:$0x3FB0]  }
0x29: {  	s4 =	sld [smem:$0x3FB2]  }
0x2a: {  	p0 =	seq.s32 s5, $0x0;
	s5 =	sld [smem:$0x3FB3]  }
0x2b: {  	s6 =	sld [smem:$0x3FB4]  }
0x2c: {  	s7 =	sld [smem:$0x3FB5]  }
0x2d: {  	s3 =	simm.s32 $0x108;
	s8 =	sld [smem:$0x3FB6]  }
0x2e: {  	s3 =	simm.s32 @!p0 $0x1082;
	s9 =	sld [smem:$0x3FB7]  }
0x2f: {  	lr =	sadd.s32 s0, s3;
	s0 =	sld [smem:$0x3FAE]  }
0x30: {  	s3 =	sld [smem:$0x3FB1]  }
0x31: {  	[smem:$0x3FBA] =	sst s10  }
0x32: {  	s10 =	sld [smem:$0x3FB8];
	_ =	sdelay $0x3  }
0x33: {  	p0 =	seq.s32 s10, $0x1;
	s10 =	sld [smem:$0x3FBA];
	_ =	sdelay $0x3  }
0x34: {  	[smem:$0x3FBA] =	sst s10  }
0x35: {  	s10 =	sld [smem:$0x3FB9];
	_ =	sdelay $0x3  }
0x36: {  	p1 =	seq.s32 s10, $0x1;
	s10 =	sld [smem:$0x3FBA];
	_ =	sdelay $0x3  }
0x37: {  	[smem:$0x3FBA] =	sst s10  }
0x38: {  	s10 =	sld [smem:$0x3FBB]  }
0x39: {  	_ = 	snop;
	(pc) =	sbr.ind lr, $3  }
0x3a: {  	_ = 	snop  }
0x3b: {  	_ = 	snop  }
0x3c: {  	p2 =	seq.s32 s10, $0x1;
	s10 =	sld [smem:$0x3FBA]  }
0x3d: {  	_ =	shalt  }
0x3e: {  	_ =	shalt  }
0x3f: {  	_ =	shalt  }
0x40: {  	_ =	shalt  }
0x41: {  	_ =	shalt  }
0x42: {  	_ =	shalt  }
0x43: {  	_ =	shalt  }
0x44: {  	_ =	shalt  }
0x45: {  	_ =	shalt  }
0x46: {  	_ =	shalt  }
0x47: {  	_ =	shalt  }
0x48: {  	_ =	shalt  }
0x49: {  	_ =	shalt  }
0x4a: {  	_ =	shalt  }
0x4b: {  	_ =	shalt  }
0x4c: {  	_ =	shalt  }
0x4d: {  	_ =	shalt  }
0x4e: {  	_ =	shalt  }
0x4f: {  	_ =	shalt  }
0x50: {  	_ =	shalt  }
0x51: {  	_ =	shalt  }
0x52: {  	_ =	shalt  }
0x53: {  	_ =	shalt  }
0x54: {  	_ =	shalt  }
0x55: {  	_ =	shalt  }
0x56: {  	_ =	shalt  }
0x57: {  	_ =	shalt  }
0x58: {  	_ =	shalt  }
0x59: {  	_ =	shalt  }
0x5a: {  	_ =	shalt  }
0x5b: {  	_ =	shalt  }
0x5c: {  	_ =	shalt  }
0x5d: {  	_ =	shalt  }
0x5e: {  	_ =	shalt  }
0x5f: {  	_ =	shalt  }
0x60: {  	_ =	shalt  }
0x61: {  	_ =	shalt  }
0x62: {  	_ =	shalt  }
0x63: {  	_ =	shalt  }
0x64: {  	_ =	shalt  }
0x65: {  	_ =	shalt  }
0x66: {  	_ =	shalt  }
0x67: {  	_ =	shalt  }
0x68: {  	_ =	shalt  }
0x69: {  	_ =	shalt  }
0x6a: {  	_ =	shalt  }
0x6b: {  	_ =	shalt  }
0x6c: {  	_ =	shalt  }
0x6d: {  	_ =	shalt  }
0x6e: {  	_ =	shalt  }
0x6f: {  	_ =	shalt  }
0x70: {  	_ =	shalt  }
0x71: {  	_ =	shalt  }
0x72: {  	_ =	shalt  }
0x73: {  	_ =	shalt  }
0x74: {  	_ =	shalt  }
0x75: {  	_ =	shalt  }
0x76: {  	_ =	shalt  }
0x77: {  	_ =	shalt  }
0x78: {  	_ =	shalt  }
0x79: {  	_ =	shalt  }
0x7a: {  	_ =	shalt  }
0x7b: {  	_ =	shalt  }
0x7c: {  	_ =	shalt  }
0x7d: {  	_ =	shalt  }
0x7e: {  	_ =	shalt  }
0x7f: {  	_ =	shalt  }
0x80: {  	_ =	shalt  }
0x81: {  	_ =	shalt  }
0x82: {  	_ =	shalt  }
0x83: {  	_ =	shalt  }
0x84: {  	_ =	shalt  }
0x85: {  	_ =	shalt  }
0x86: {  	_ =	shalt  }
0x87: {  	_ =	shalt  }
.Lfunc_end0:
.L_simem_size_0:
called_computation_lowered:
.L_overlay_start_0:
0x88: {  	s2 =	sld [smem:$0x3FD9]  }
0x89: {  	s3 =	sld [smem:$0x3FFE];
	_ =	sdelay $0x1  }
0x8a: {  	s1 =	srdreg.scid  }
0x8b: {  	s0 =	sand.u32 $0x1, s1  }
0x8c: {  	s14 =	sshll.u32 s0, $0xA;
	s2 =	sadd.s32 s3, s2  }
0x8d: {  	s2 =	sadd.s32 s2, s14  }
0x8e: {  	[smem:$0x3FC6] =	sst s2  }
0x8f: {  	_ = 	snop  }
0x90: {  	s2 =	sld [smem:$0x3FD0];
	_ =	sdelay $0x2  }
0x91: {  	s15 =	simm.s32 $0xA;
	s4 =	simm.s32 $0x10  }
0x92: {  	[smem:s4], [sflag:s15] =	dma.local [hbm:s2], $0x1  }
0x93: {  	_ =	swait.eq [sflag:s15], $0x1  }
0x94: {  	[sflag:s15] =	ssyncset.done $0x0  }
0x95: {  	[sflag:s15] =	ssyncadd.s32 $0xFFFFFFFF  }
0x96: {  	s16 =	sld [smem:$0x10];
	(tm) =	ssettm $0x1  }
0x97: {  	s17 =	sld [smem:$0x3FFB];
	_ =	sdelay $0x3  }
0x98: {  	_ =	strace s17  }
0x99: {  	s3 =	sld [smem:$0x3FFC];
	_ =	sdelay $0x3  }
0x9a: {  	_ =	strace s3  }
0x9b: {  	s3 =	sld [smem:$0x3FFD];
	_ =	sdelay $0x3  }
0x9c: {  	_ =	strace s3  }
0x9d: {  	_ =	strace $0x8FFFFFFF  }
0x9e: {  	s18 =	sld [smem:$0x3FDB];
	_ =	sdelay $0x1  }
0x9f: {  	s19 =	simm.s32 $_scs_section_size  }
0xa0: {  	s5 =	simm.s32 $_size__tile_overlayer_lowered;
	s6 =	simm.s32 $_tile_overlayer_lowered  }
0xa1: {  	s22 =	simm.s32 $0x1BFF;
	s21 =	sshll.u32 s6, $0x1;
	s3 =	sadd.s32 s19, s18  }
0xa2: {  	s7 =	simm.s32 $0x0;
	s20 =	sshll.u32 s5, $0x1;
	s5 =	sadd.s32 s21, s3  }
0xa3: {  	[timem:s7], [sflag:s22] =	dma.local [hbm:s5], s20  }
0xa4: {  	_ =	swait.ge [sflag:s22], s20  }
0xa5: {  	s4 =	ssub.s32 $0x0, s20;
	[sflag:s22] =	ssyncset.done $0x0  }
0xa6: {  	[sflag:s22] =	ssyncadd.s32 s4;
	_ =	sdelay $0x1  }
0xa7: {  	s23 =	simm.s32 $0x1B8B  }
0xa8: {  	_ =	swait.ge [sflag:s23], $0x1  }
0xa9: {  	[sflag:s23] =	ssyncset.done $0x0  }
0xaa: {  	s25 =	simm.s32 $0x1B8E;
	s24 =	sld [smem:$0x3FFE];
	[sflag:s23] =	ssyncadd.s32 $0xFFFFFFFF  }
0xab: {  	s26 =	simm.s32 $execute0_lowered;
	[smem:$0x3FD2] =	sst s25  }
0xac: {  	s5 =	sshll.u32 s26, $0x1;
	_ =	strace $0x80000052;
	[dreg:$0x1] =	wrdreg $0xFFFFFFFF  }
0xad: {  	s28 =	simm.s32 $_size_execute0_lowered;
	s3 =	sadd.s32 s3, s5;
	[dreg:$0x0] =	wrdreg $0x0  }
0xae: {  	s5 =	sshll.u32 s28, $0x1;
	[dreg:$0x2] =	wrdreg s3  }
0xaf: {  	[dreg:$0x3] =	wrdreg s5  }
0xb0: {  	[dreg:$0x4] =	wrdreg $0xC0  }
0xb1: {  	_ =	task [dreg:s7], $0x5FFFF  }
0xb2: {  	[dreg:$0x1] =	wrdreg $0xFFFFFFFF  }
0xb3: {  	[dreg:$0x0] =	wrdreg $0x60  }
0xb4: {  	[dreg:$0x2] =	wrdreg s24  }
0xb5: {  	[dreg:$0x3] =	wrdreg s16  }
0xb6: {  	[dreg:$0x4] =	wrdreg $0x9  }
0xb7: {  	_ =	task.clear_ibuf [dreg:s7], $0x5FFFF;
	_ =	strace $0x90000052  }
0xb8: {  	s29 =	simm.s32 $0x9;
	_ =	strace $0x80000054  }
0xb9: {  	_ =	swait.ge [sflag:s29], $0x1  }
0xba: {  	[sflag:s29] =	ssyncadd.s32 $0xFFFFFFFF  }
0xbb: {  	_ =	strace $0x90000054  }
0xbc: {  	_ =	sfence  }
0xbd: {  	s30 =	sld [smem:$0x0];
	_ =	sdelay $0x2  }
0xbe: {  	s31 =	sshll.u32 s1, $0xD;
	s1 =	sshrl.u32 s1, $0x2  }
0xbf: {  	s3 =	sand.u32 $0x4000, s31;
	s1 =	sadd.s32 s1, s30  }
0xc0: {  	s0 =	sor.u32 s3, s0;
	s1 =	sshll.u32 s1, $0x11  }
0xc1: {  	s0 =	sor.u32 s1, s0  }
0xc2: {  	s0 =	sadd.s32 $0x8F2B, s0  }
0xc3: {  	[sflag:s0] =	ssyncadd.remote.s32 $0x1  }
0xc4: {  	_ =	sfence.sel $0xFFFF  }
0xc5: {  	[dreg:$0x0] =	wrdreg $0xFFFFFFFF;
	(pc) =	sbr.abs _section_cstart, $3  }
0xc6: {  	[dreg:$0x1] =	wrdreg $0xFFFFFFFF  }
0xc7: {  	_ =	task.clear_ibuf [dreg:s7], $0x2FFFF;
	_ =	strace $0x9FFFFFFF  }
0xc8: {  	(tm) =	ssettm $0x7FFFFFFF  }
0xc9: {  	_ =	shalt  }
tec
execute0_lowered:
.L_overlay_start_1:
0x0: {  	(tag) =	ssettag $0x1  }
0x1: {  	s8 =	rddreg [dreg:$0x0];
	s0 =	stileid.u32  }
0x2: {  	s1 =	srdreg.scid;
	s2 =	rddreg [dreg:$0x1]  }
0x3: {  	s5 =	simm.s32 $0x1;
	s9 =	simm.s32 $0x1;
	s10 =	simm.s32 $0x3  }
0x4: {  	s13 =	simm.s32 $0x0;
	s3 =	sand.u32 $0x1, s1;
	s4 =	sshll.u32 s0, $0x1  }
0x5: {  	s12 =	simm.s32 $0x0;
	s1 =	rddreg [dreg:$0x2];
	s6 =	sor.u32 s4, s3  }
0x6: {  	_ =	strace $0x80000053;
	s3 =	sadd.s32 $0x94000, s8;
	s4 =	smul.u32 $0xC00, s6  }
0x7: {  	[sflag:s5] =	ssyncpa.u1 $0x0;
	p0 =	slt.u32 s6, $0x5;
	s6 =	simm.s32 $0x18000  }
.Ltmp0:
0x8: {  	s6 =	simm.s32 @!p0 $0x0;
	s7 =	ssub.s32 $0x1B000, s4;
	(pc) =	sbr.rel .LBB2_1-.Ltmp0, $4  }
0x9: {  	s9 =	simm.s32 @!p0 $0x0;
	p0 =	sne.s32 s7, s6;
	s7 =	simm.s32 $0x1  }
0xa: {  	s8 =	sadd.s32 $0x74000, s8;
	s6 =	simm.s32 $0x2;
	s7 =	simm.s32 @!p0 $0x0  }
0xb: {  	s11 =	smov.u32 s4;
	[sflag:s6] =	ssyncpa.u1 $0x0;
	s7 =	sadd.s32 s9, s7  }
0xc: {  	vm0 =	vmmov $0xffff;
	[sflag:s10] =	ssyncpa.u1 $0x0;
	s10 =	simm.s32 $0x0;
	s9 =	sadd.s32 $0x1, s7  }
.LBB2_4:
0xd: {  	v2 =	vnsel vm1, $0x0, v2  }
0xe: {  	vm1 =	vgt.s32 v0, $0x0;
	v2 =	vmin.u32 v2, $0x1869F  }
0xf: {  	v0 =	vnsel vm1, $0x0, v0  }
0x10: {  	v0 =	vmin.u32 v0, $0x1869F  }
0x11: {  	[tilespmem:s18], [sflag:$0x1] =	stream.indirect_vreg.gather [hbm4b:s3+s10], $0x1, v1, vm0, $0x4038;
	[tilespmem:$0x3000] =	vst v63  }
0x12: {  	(ifvalue) =	ssetifvalue $0x7FFFFFFF  }
0x13: {  	[tilespmem:s15], [sflag:$0x1] =	stream.indirect_vreg.gather [hbm4b:s3+s10], $0x1, v2, vm0, $0x4038;
	[tilespmem:$0x3000] =	vst v63  }
0x14: {  	s29 =	sadd.s32 $0x10, s15;
	(ifvalue) =	ssetifvalue $0x7FFFFFFF  }
0x15: {  	[tilespmem:s29], [sflag:$0x1] =	stream.indirect_vreg.gather [hbm4b:s3+s10], $0x1, v0, vm0, $0x4038;
	[tilespmem:$0x3000] =	vst v63  }
0x16: {  	_ =	swait.ge [sflag:s5], $0xC00  }
0x17: {  	s30 =	sshrl.u32 s13, $0x3;
	[sflag:s5] =	ssyncset.done $0x0  }
0x18: {  	s31 =	sand.u32 $0x7, s13;
	s15 =	sadd.s32 s8, s30;
	[sflag:s5] =	ssyncadd.s32 $0xFFFFF400  }
0x19: {  	[hbm4b:s15+s31] =	stream.linear.scatter [tilespmem:s14], [sflag:$0x3], $0xC00, $0x38;
	[tilespmem:$0x3000] =	vst v63  }
.LBB2_5:
0x1a: {  	s15 =	sadd.s32 $0x18000, s11  }
0x1b: {  	p1 =	sgt.s32 s15, $0x1AFFF  }
0x1c: {  	s15 =	smov.u32 @p1 s4;
	p1 =	sne.s32 s12, s9  }
.Ltmp1:
0x1d: {  	p0 =	slt.u32 s12, $0x2;
	(pc) =	sbr.rel @!p1 .LBB2_6-.Ltmp1, $4  }
0x1e: {  	s14 =	simm.s32 @!p0 $0x3  }
0x1f: {  	_ =	swait.ge @!p0 [sflag:s14], $0xC00  }
0x20: {  	s16 =	sadd.s32 $0x1, s12;
	s13 =	smov.u32 s11;
	[sflag:s14] =	ssyncset.done @!p0 $0x0  }
0x21: {  	s12 =	smov.u32 s16;
	s11 =	smov.u32 s15;
	[sflag:s14] =	ssyncadd.s32 @!p0 $0xFFFFF400  }
.LBB2_1:
0x22: {  	p0 =	sge.u32 s12, s7  }
0x23: {  	s14 =	sxor.u32 @!p0 $0x1, s12  }
0x24: {  	s14 =	smul.u32 @!p0 $0x3000, s14  }
0x25: {  	s31 =	sadd.s32 $0xFFFFFFFF, s12;
	s15 =	sshrl.u32 @!p0 s11, $0x3  }
0x26: {  	s16 =	sand.u32 @!p0 $0x7, s11;
	s15 =	sadd.s32 @!p0 s2, s15;
	s14 =	sshra.s32 @!p0 s14, $0x2  }
0x27: {  	[tilespmem:s14], [sflag:$0x2] =	stream.linear.gather @!p0 [hbm4b:s15+s16], $0xC00, $0x38;
	[tilespmem:$0x3000] =	vst v63  }
0x28: {  	p0 =	sge.u32 s31, s7  }
.Ltmp2:
0x29: {  	_ = 	snop;
	(pc) =	sbr.rel @p0 .LBB2_5-.Ltmp2, $1  }
0x2a: {  	_ =	sdelay $0x3  }
0x2b: {  	s14 =	sand.u32 $0x1, s12  }
0x2c: {  	_ =	swait.ge [sflag:s6], $0xC00;
	p0 =	seq.s32 s14, $0x1;
	s14 =	simm.s32 $0xC00  }
0x2d: {  	[sflag:s6] =	ssyncset.done $0x0;
	s14 =	simm.s32 @!p0 $0x0  }
0x2e: {  	[sflag:s6] =	ssyncadd.s32 $0xFFFFF400;
	(ifvalue) =	ssetifvalue $0x7FFFFFFF;
	v0 =	vld.msk [tilespmem:s14+$0x0 ss:$0x1], $0xffff;
	_ =	sdelay $0x4  }
0x2f: {  	s15 =	sadd.s32 $0x10, s14;
	vm1 =	vgt.s32 v0, $0x0  }
0x30: {  	v2 =	vld.msk [tilespmem:s15+$0x0 ss:$0x1], $0xffff;
	v1 =	vnsel vm1, $0x0, v0  }
0x31: {  	v1 =	vmin.u32 v1, $0x1869F;
	_ =	sdelay $0x2  }
0x32: {  	s17 =	simm.s32 $0x20;
	s14 =	sadd.s32 $0x1800, s14;
	s16 =	sadd.s32 $0x10, s15  }
0x33: {  	s15 =	sadd.s32 $0x10, s14;
	s18 =	smov.u32 s14;
	v0 =	vld.msk [tilespmem:s16+$0x0 ss:$0x1], $0xffff;
	vm1 =	vgt.s32 v2, $0x0;
	(ifvalue) =	ssetifvalue $0x7FFFFFFF  }
.LBB2_3:
0x34: {  	[tilespmem:s18], [sflag:$0x1] =	stream.indirect_vreg.gather [hbm4b:s3+s10], $0x1, v1, vm0, $0x4038;
	[tilespmem:$0x3000] =	vst v63  }
0x35: {  	s17 =	sadd.s32 $0x10, s17  }
0x36: {  	v2 =	vnsel vm1, $0x0, v2;
	p0 =	slt.u32 s17, $0xBF0  }
.Ltmp3:
0x37: {  	s18 =	smov.u32 s15;
	v1 =	vmin.u32 v2, $0x1869F;
	(pc) =	sbr.rel @p0 .LBB2_3-.Ltmp3, $3  }
0x38: {  	_ =	sdelay $0x1  }
0x39: {  	s16 =	sadd.s32 $0x10, s16  }
0x3a: {  	vm1 =	vgt.s32 v0, $0x0;
	s15 =	sadd.s32 $0x10, s15;
	v2 =	vmov v0;
	(ifvalue) =	ssetifvalue $0x7FFFFFFF;
	v0 =	vld.msk [tilespmem:s16+$0x0 ss:$0x1], $0xffff  }
.Ltmp4:
0x3b: {  	_ = 	snop;
	(pc) =	sbr.rel .LBB2_4-.Ltmp4, $1  }
0x3c: {  	_ =	sdelay $0x3  }
.LBB2_6:
0x3d: {  	_ =	sfence.sel $0x180000  }
0x3e: {  	s2 =	simm.s32 $0x2;
	[bflag:$0x0] =	sbarrier.arrive $0xFFFF  }
0x3f: {  	s30 =	simm.s32 $0x3;
	[sflag:s2] =	ssyncpa.u1 $0x1  }
0x40: {  	s31 =	simm.s32 $0x1;
	[sflag:s30] =	ssyncpa.u1 $0x1  }
0x41: {  	[sflag:s31] =	ssyncpa.u1 $0x1  }
0x42: {  	p0 =	sne.s32 s0, $0x0;
	_ =	strace $0x90000053  }
0x43: {  	s0 =	sadd.s32 @!p0 $0x100000, s1;
	[bflag:$0x2] =	sbarrier.arrive $0xFFFF  }
0x44: {  	[sflag:s0] =	ssyncadd.tile.s32 @!p0 $0x1;
	_ =	shalt  }
.Lfunc_end2:
_tile_overlayer_lowered:
.L_overlay_start_2:
0x45: {  	(tag) =	ssettag $0x2  }
0x46: {  	s0 =	rddreg [dreg:$0x0];
	s2 =	stileid.u32  }
0x47: {  	s1 =	rddreg [dreg:$0x1];
	p0 =	sne.s32 s2, $0x0  }
0x48: {  	s3 =	rddreg [dreg:$0x2];
	[bflag:$0x3] =	sbarrier.arrive $0xFFFF;
	s2 =	simm.s32 @!p0 $0x1C01  }
0x49: {  	[timem:s3], [sflag:s2] =	dma.local @!p0 [hbm:s0], s1  }
0x4a: {  	s0 =	simm.s32 @!p0 $0x1  }
0x4b: {  	_ =	swait.ge @!p0 [sflag:s0], s1  }
0x4c: {  	s1 =	ssub.s32 @!p0 $0x0, s1;
	[sflag:s0] =	ssyncset.done @!p0 $0x0  }
0x4d: {  	[sflag:s0] =	ssyncadd.s32 @!p0 s1  }
0x4e: {  	[bflag:$0x3] =	sbarrier.arrive $0xFFFF  }
0x4f: {  	_ =	shalt  }

</sc_bundles>
